<compile_context>
chip_gen: v7x
topology: tpu7x:2x2x1
jax: 0.10.2.dev20260603
libtpu: 0.0.44.dev20260713+nightly
codegen_flags: <defaults>
</compile_context>

<pallas_src>
import numpy as np
import jax
import jax.numpy as jnp
from jax import lax
from jax.experimental import pallas as pl
from jax.experimental.pallas import tpu as pltpu
from jax.experimental.pallas import tpu_sc as plsc


def _positional_embedding_np(seq_len, d_model):
    position = np.arange(seq_len, dtype=np.float32)[:, None]
    div_term = np.exp(
        np.arange(0, d_model, 2, dtype=np.float32) * -(np.log(10000.0) / d_model))
    pe = np.zeros((seq_len, d_model), dtype=np.float32)
    pe[:, 0::2] = np.sin(position * div_term)
    pe[:, 1::2] = np.cos(position * div_term)
    return pe


def _sc_gather_body(nt, et, at, idx_all,
                    o_n, o_e,
                    iv, rv0, rv1, rv2, rv3, gsem, wsem):
    rpw = iv.shape[1]
    h = rv0.shape[1]
    wid = lax.axis_index("s") * 2 + lax.axis_index("c")
    base = wid * rpw

    pltpu.sync_copy(idx_all.at[wid], iv)
    g1 = pltpu.async_copy(et.at[iv.at[1]], rv1, gsem)
    g2 = pltpu.async_copy(et.at[iv.at[2]], rv2, gsem)
    g3 = pltpu.async_copy(at.at[iv.at[3]], rv3, gsem)
    g0 = pltpu.async_copy(nt.at[iv.at[0]], rv0, gsem)
    g1.wait()
    g2.wait()
    g3.wait()

    def add_rows(lo, n_rows):
        def add_row(r, carry):
            for c in range(h // 16):
                s = pl.ds(c * 16, 16)
                rv1[r, s] = (rv1[r, s] + rv2[r, s]) + rv3[r, s]
            return carry
        lax.fori_loop(lo, lo + n_rows, add_row, 0)

    half = rpw // 2
    add_rows(0, half)
    w1a = pltpu.async_copy(rv1.at[pl.ds(0, half)],
                           o_e.at[pl.ds(base, half)], wsem)
    add_rows(half, rpw - half)
    w1b = pltpu.async_copy(rv1.at[pl.ds(half, rpw - half)],
                           o_e.at[pl.ds(base + half, rpw - half)], wsem)
    g0.wait()
    w0 = pltpu.async_copy(rv0, o_n.at[pl.ds(base, rpw)], wsem)
    w1a.wait()
    w1b.wait()
    w0.wait()


def _sc_gather(node_table, eidx_table, eattr_table, idx_n, idx_1, idx_2, idx_a):
    n = idx_n.shape[0]
    h = node_table.shape[1]
    nw = 32
    rpw = n // nw
    idx_all = jnp.stack(
        [idx_n.reshape(nw, rpw), idx_1.reshape(nw, rpw),
         idx_2.reshape(nw, rpw), idx_a.reshape(nw, rpw)], axis=1)
    mesh = plsc.VectorSubcoreMesh(core_axis_name="c", subcore_axis_name="s")
    row_t = jax.ShapeDtypeStruct((n, h), jnp.float32)
    f = pl.kernel(
        _sc_gather_body,
        out_type=[row_t, row_t],
        mesh=mesh,
        scratch_types=(
            [pltpu.VMEM((4, rpw), jnp.int32)]
            + [pltpu.VMEM((rpw, h), jnp.float32) for _ in range(4)]
            + [pltpu.SemaphoreType.DMA, pltpu.SemaphoreType.DMA]
        ),
    )
    return f(node_table, eidx_table, eattr_table, idx_all)


def _dotT(u, w):
    return lax.dot_general(u, w, (((1,), (1,)), ((), ())),
                           preferred_element_type=jnp.float32)


def _ln(x, g, b, eps=1e-5):
    mu = jnp.mean(x, axis=-1, keepdims=True)
    d = x - mu
    var = jnp.mean(d * d, axis=-1, keepdims=True)
    return d * lax.rsqrt(var + eps) * g + b


def _tc_body(xg, adj, es, pe, ones_c, W_l, b_l, W_r, W_proj, b_proj,
             ln_g, ln_b, gW1, gb1, gW2, gb2, out):
    B = adj.shape[0]
    for b in range(B):
        x = xg[b] + pe[...]
        a = (adj[b] != 0).astype(jnp.bfloat16)
        agg = lax.dot_general(a, x.astype(jnp.bfloat16),
                              (((0,), (0,)), ((), ())),
                              preferred_element_type=jnp.float32)
        cnt = lax.dot_general(a, ones_c[...], (((0,), (0,)), ((), ())),
                              preferred_element_type=jnp.float32)
        agg = agg / jnp.maximum(cnt, 1.0)
        h = _dotT(agg, W_l[...]) + b_l[...] + _dotT(x, W_r[...])
        h = _dotT(h, W_proj[...]) + b_proj[...]
        h = _ln(h, ln_g[...], ln_b[...])
        r = jnp.maximum(_dotT(h, gW1[...]) + gb1[...], 0.0)
        z = jnp.sum(r * gW2[...], axis=-1, keepdims=True) + gb2[...]
        g = 1.0 / (1.0 + jnp.exp(-z))
        h = h * g
        out[b] = _ln(h + es[b], ln_g[...], ln_b[...])


def _tc_forward(xg, adj, es, pe, weights):
    B, S, _ = adj.shape
    H = xg.shape[-1]
    ones_c = jnp.ones((S, 1), jnp.bfloat16)
    out = pl.pallas_call(
        _tc_body,
        out_shape=jax.ShapeDtypeStruct((B, S, H), jnp.float32),
    )(xg.reshape(B, S, H), adj, es.reshape(B, S, H), pe, ones_c, *weights)
    return out


def kernel(nodes, edge_indices, edge_attr, adj_matrices, node_table,
           eidx_table, eattr_table, W_l, b_l, W_r, W_proj, b_proj,
           ln_g, ln_b, gW1, gb1, gW2, gb2):
    B, S = nodes.shape
    H = node_table.shape[1]
    idx_n = nodes.reshape(-1)
    idx_1 = edge_indices[..., 0].reshape(-1)
    idx_2 = edge_indices[..., 1].reshape(-1)
    idx_a = edge_attr.reshape(-1)
    xg, es = _sc_gather(node_table, eidx_table, eattr_table,
                        idx_n, idx_1, idx_2, idx_a)
    pe = jnp.asarray(_positional_embedding_np(S, H))
    weights = (W_l, b_l.reshape(1, H), W_r, W_proj, b_proj.reshape(1, H),
               ln_g.reshape(1, H), ln_b.reshape(1, H),
               gW1, gb1.reshape(1, H // 2), gW2, gb2.reshape(1, 1))
    return _tc_forward(xg, adj_matrices, es, pe, weights)

# --- scband reference (transcript-rebuilt; emitter-appended) ---
"""Pipeline reference for scband-graph-encoder-17171279249637 (READ-ONLY COPY).

The authoritative reference and input builder live on the scoring server;
editing this copy changes nothing except your own understanding.
"""

import jax, jax.numpy as jnp
import numpy as np


def _layer_norm(x, g, b, eps=1e-5):
    mu = jnp.mean(x, axis=-1, keepdims=True)
    var = jnp.mean((x - mu) ** 2, axis=-1, keepdims=True)
    return (x - mu) / jnp.sqrt(var + eps) * g + b


def _positional_embedding(seq_len, d_model):
    position = np.arange(seq_len, dtype=np.float32)[:, None]
    div_term = np.exp(np.arange(0, d_model, 2, dtype=np.float32) * -(np.log(10000.0) / d_model))
    pe = np.zeros((seq_len, d_model), dtype=np.float32)
    pe[:, 0::2] = np.sin(position * div_term)
    pe[:, 1::2] = np.cos(position * div_term)
    return jnp.asarray(pe)[None, :, :]


def setup_inputs(seed: int = 0):
    key = jax.random.key(seed)
    ks = jax.random.split(key, 20)
    B, S, H = 4, 512, 128
    V_node, V_eidx, V_eattr = 100000, 50000, 100
    sc = 0.02
    inp = {}
    inp['nodes'] = jax.random.randint(ks[0], (B, S), 0, V_node, dtype=jnp.int32)
    inp['edge_indices'] = jax.random.randint(ks[1], (B, S, 2), 0, V_eidx, dtype=jnp.int32)
    inp['edge_attr'] = jax.random.randint(ks[2], (B, S), 0, V_eattr, dtype=jnp.int32)
    inp['adj_matrices'] = jax.random.randint(ks[3], (B, S, S), 0, 2, dtype=jnp.int32)
    inp['node_table'] = jax.random.normal(ks[4], (V_node, H), dtype=jnp.float32) * sc
    inp['eidx_table'] = jax.random.normal(ks[5], (V_eidx, H), dtype=jnp.float32) * sc
    inp['eattr_table'] = jax.random.normal(ks[6], (V_eattr, H), dtype=jnp.float32) * sc
    inp['W_l'] = jax.random.normal(ks[7], (H, H), dtype=jnp.float32) * sc
    inp['b_l'] = jnp.zeros((H,), dtype=jnp.float32)
    inp['W_r'] = jax.random.normal(ks[8], (H, H), dtype=jnp.float32) * sc
    inp['W_proj'] = jax.random.normal(ks[9], (H, H), dtype=jnp.float32) * sc
    inp['b_proj'] = jnp.zeros((H,), dtype=jnp.float32)
    inp['ln_g'] = jnp.ones((H,), dtype=jnp.float32)
    inp['ln_b'] = jnp.zeros((H,), dtype=jnp.float32)
    inp['gW1'] = jax.random.normal(ks[10], (H // 2, H), dtype=jnp.float32) * sc
    inp['gb1'] = jnp.zeros((H // 2,), dtype=jnp.float32)
    inp['gW2'] = jax.random.normal(ks[11], (1, H // 2), dtype=jnp.float32) * sc
    inp['gb2'] = jnp.zeros((1,), dtype=jnp.float32)
    return inp


def reference(nodes, edge_indices, edge_attr, adj_matrices, node_table, eidx_table, eattr_table, W_l, b_l, W_r, W_proj, b_proj, ln_g, ln_b, gW1, gb1, gW2, gb2):
    B, S = nodes.shape
    H = node_table.shape[1]
    N = B * S
    # node embedding + positional embedding
    x = node_table[nodes] + _positional_embedding(S, H)  # [B, S, H]
    # dense_to_sparse on batched dense adjacency (PyG semantics)
    b_idx, r_idx, c_idx = jnp.unravel_index(jnp.arange(B * S * S), adj_matrices.shape)
    mask = adj_matrices.reshape(-1) != 0
    src = b_idx * S + r_idx
    dst = b_idx * S + c_idx
    xf = x.reshape(-1, H)
    # SAGEConv: mean aggregation of source features at destination
    msg = jnp.where(mask[:, None], jnp.take(xf, src, axis=0), jnp.zeros((), dtype=xf.dtype))
    agg = jax.ops.segment_sum(msg, dst, num_segments=N)
    cnt = jax.ops.segment_sum(mask.astype(xf.dtype), dst, num_segments=N)
    agg = agg / jnp.clip(cnt, 1.0)[:, None]
    h = agg @ W_l.T + b_l + xf @ W_r.T
    # proj
    h = h @ W_proj.T + b_proj
    h = h.reshape(B, S, H)
    h = _layer_norm(h, ln_g, ln_b)
    # gating MLP
    g = h.reshape(-1, H)
    g = jax.nn.relu(g @ gW1.T + gb1)
    g = jax.nn.sigmoid(g @ gW2.T + gb2)
    h = h * g.reshape(B, S, 1)
    # edge index / attr embeddings
    e1 = eidx_table[edge_indices[..., 0]]
    e2 = eidx_table[edge_indices[..., 1]]
    ea = eattr_table[edge_attr]
    out = _layer_norm(h + e1 + e2 + ea, ln_g, ln_b)
    return out

if __name__ == "__main__":
    import jax
    _d = setup_inputs()
    print(jax.jit(kernel)(*tuple(_d.values())))

</pallas_src>

<mosaic_0001>
#map = affine_map<(d0, d1) -> (0, 0)>
#map1 = affine_map<(d0, d1) -> (0, 0, 0)>
module attributes {stable_mosaic.version = 14 : i64} {
  func.func @_sc_gather_body(%arg0: i32, %arg1: i32, %arg2: memref<100000x128xf32, #tpu.memory_space<hbm>>, %arg3: memref<50000x128xf32, #tpu.memory_space<hbm>>, %arg4: memref<100x128xf32, #tpu.memory_space<hbm>>, %arg5: memref<32x4x64xi32, #tpu.memory_space<hbm>>, %arg6: memref<2048x128xf32, #tpu.memory_space<hbm>>, %arg7: memref<2048x128xf32, #tpu.memory_space<hbm>>, %arg8: memref<4x64xi32, #tpu.memory_space<vmem>>, %arg9: memref<64x128xf32, #tpu.memory_space<vmem>>, %arg10: memref<64x128xf32, #tpu.memory_space<vmem>>, %arg11: memref<64x128xf32, #tpu.memory_space<vmem>>, %arg12: memref<64x128xf32, #tpu.memory_space<vmem>>, %arg13: memref<!tpu.dma_semaphore, #tpu.memory_space<semaphore_mem>>, %arg14: memref<!tpu.dma_semaphore, #tpu.memory_space<semaphore_mem>>) attributes {dimension_semantics = [#tpu.dimension_semantics<core_parallel>, #tpu.dimension_semantics<subcore_parallel>], iteration_bounds = array<i64: 2, 16>, scalar_prefetch = 0 : i64, scratch_operands = 7 : i64, tpu.core_type = #tpu.core_type<sc_vector_subcore>, window_params = [{transform_indices = #map}, {transform_indices = #map}, {transform_indices = #map}, {transform_indices = #map1}, {transform_indices = #map}, {transform_indices = #map}]} {
    %mul3A = arith.constant 2 : i32
    %mul3A_0 = arith.muli %arg1, %mul3A : i32
    %add3A = arith.addi %mul3A_0, %arg0 : i32
    %mul3A_1 = arith.constant 64 : i32
    %mul3A_2 = arith.muli %add3A, %mul3A_1 : i32
    "tpu.region"() ({
      %run_scoped3A = tpu.sem_alloc : memref<!tpu.dma_semaphore, #tpu.memory_space<semaphore_mem>>
      %dma_start3A_118 = arith.constant 0 : i32
      %dma_start3A_119 = arith.constant 0 : i32
      %dma_start3A_120 = tpu.memref_slice %arg5[%add3A, %dma_start3A_118, %dma_start3A_119] : memref<32x4x64xi32, #tpu.memory_space<hbm>> -> memref<1x4x64xi32, #tpu.memory_space<hbm>>
      %dma_start3A_121 = tpu.memref_squeeze %dma_start3A_120 : memref<1x4x64xi32, #tpu.memory_space<hbm>> -> memref<4x64xi32, #tpu.memory_space<hbm>>
      %dma_start3A_122 = arith.constant 0 : i32
      %dma_start3A_123 = arith.constant 0 : i32
      %dma_start3A_124 = tpu.memref_slice %arg5[%add3A, %dma_start3A_122, %dma_start3A_123] : memref<32x4x64xi32, #tpu.memory_space<hbm>> -> memref<1x4x64xi32, #tpu.memory_space<hbm>>
      %dma_start3A_125 = tpu.memref_squeeze %dma_start3A_124 : memref<1x4x64xi32, #tpu.memory_space<hbm>> -> memref<4x64xi32, #tpu.memory_space<hbm>>
      tpu.enqueue_dma source(%dma_start3A_125 : memref<4x64xi32, #tpu.memory_space<hbm>>) target(%arg8 : memref<4x64xi32, #tpu.memory_space<vmem>>) target_semaphore(%run_scoped3A : memref<!tpu.dma_semaphore, #tpu.memory_space<semaphore_mem>>)
      %dma_wait3A_126 = arith.constant 0 : i32
      %dma_wait3A_127 = arith.constant 0 : i32
      %dma_wait3A_128 = tpu.memref_slice %arg5[%add3A, %dma_wait3A_126, %dma_wait3A_127] : memref<32x4x64xi32, #tpu.memory_space<hbm>> -> memref<1x4x64xi32, #tpu.memory_space<hbm>>
      %dma_wait3A_129 = tpu.memref_squeeze %dma_wait3A_128 : memref<1x4x64xi32, #tpu.memory_space<hbm>> -> memref<4x64xi32, #tpu.memory_space<hbm>>
      %dma_wait3A_130 = arith.constant 0 : i32
      %dma_wait3A_131 = arith.constant 0 : i32
      %dma_wait3A_132 = tpu.memref_slice %arg5[%add3A, %dma_wait3A_130, %dma_wait3A_131] : memref<32x4x64xi32, #tpu.memory_space<hbm>> -> memref<1x4x64xi32, #tpu.memory_space<hbm>>
      %dma_wait3A_133 = tpu.memref_squeeze %dma_wait3A_132 : memref<1x4x64xi32, #tpu.memory_space<hbm>> -> memref<4x64xi32, #tpu.memory_space<hbm>>
      tpu.wait_dma2 semaphore(%run_scoped3A : memref<!tpu.dma_semaphore, #tpu.memory_space<semaphore_mem>>) src(%dma_wait3A_133 : memref<4x64xi32, #tpu.memory_space<hbm>>) dst(%arg8 : memref<4x64xi32, #tpu.memory_space<vmem>>)
      tpu.yield
    }) : () -> ()
    %dma_start3A = arith.constant 1 : i32
    %dma_start3A_3 = arith.constant 0 : i32
    %dma_start3A_4 = tpu.memref_slice %arg8[%dma_start3A, %dma_start3A_3] : memref<4x64xi32, #tpu.memory_space<vmem>> -> memref<1x64xi32, #tpu.memory_space<vmem>>
    %dma_start3A_5 = tpu.memref_squeeze %dma_start3A_4 : memref<1x64xi32, #tpu.memory_space<vmem>> -> memref<64xi32, #tpu.memory_space<vmem>>
    %dma_start3A_6 = arith.constant 0 : i32
    %dma_start3A_7 = arith.constant 0 : i32
    %dma_start3A_8 = tpu.memref_slice %arg3[%dma_start3A_6, %dma_start3A_7] : memref<50000x128xf32, #tpu.memory_space<hbm>> -> memref<50000x128xf32, #tpu.memory_space<hbm>>
    tpu.enqueue_indirect_dma source(%dma_start3A_8 : memref<50000x128xf32, #tpu.memory_space<hbm>>) target(%arg10 : memref<64x128xf32, #tpu.memory_space<vmem>>) offsets(%dma_start3A_5 : memref<64xi32, #tpu.memory_space<vmem>>) semaphore(%arg13 : memref<!tpu.dma_semaphore, #tpu.memory_space<semaphore_mem>>)
    %dma_start3A_9 = arith.constant 2 : i32
    %dma_start3A_10 = arith.constant 0 : i32
    %dma_start3A_11 = tpu.memref_slice %arg8[%dma_start3A_9, %dma_start3A_10] : memref<4x64xi32, #tpu.memory_space<vmem>> -> memref<1x64xi32, #tpu.memory_space<vmem>>
    %dma_start3A_12 = tpu.memref_squeeze %dma_start3A_11 : memref<1x64xi32, #tpu.memory_space<vmem>> -> memref<64xi32, #tpu.memory_space<vmem>>
    %dma_start3A_13 = arith.constant 0 : i32
    %dma_start3A_14 = arith.constant 0 : i32
    %dma_start3A_15 = tpu.memref_slice %arg3[%dma_start3A_13, %dma_start3A_14] : memref<50000x128xf32, #tpu.memory_space<hbm>> -> memref<50000x128xf32, #tpu.memory_space<hbm>>
    tpu.enqueue_indirect_dma source(%dma_start3A_15 : memref<50000x128xf32, #tpu.memory_space<hbm>>) target(%arg11 : memref<64x128xf32, #tpu.memory_space<vmem>>) offsets(%dma_start3A_12 : memref<64xi32, #tpu.memory_space<vmem>>) semaphore(%arg13 : memref<!tpu.dma_semaphore, #tpu.memory_space<semaphore_mem>>)
    %dma_start3A_16 = arith.constant 3 : i32
    %dma_start3A_17 = arith.constant 0 : i32
    %dma_start3A_18 = tpu.memref_slice %arg8[%dma_start3A_16, %dma_start3A_17] : memref<4x64xi32, #tpu.memory_space<vmem>> -> memref<1x64xi32, #tpu.memory_space<vmem>>
    %dma_start3A_19 = tpu.memref_squeeze %dma_start3A_18 : memref<1x64xi32, #tpu.memory_space<vmem>> -> memref<64xi32, #tpu.memory_space<vmem>>
    %dma_start3A_20 = arith.constant 0 : i32
    %dma_start3A_21 = arith.constant 0 : i32
    %dma_start3A_22 = tpu.memref_slice %arg4[%dma_start3A_20, %dma_start3A_21] : memref<100x128xf32, #tpu.memory_space<hbm>> -> memref<100x128xf32, #tpu.memory_space<hbm>>
    tpu.enqueue_indirect_dma source(%dma_start3A_22 : memref<100x128xf32, #tpu.memory_space<hbm>>) target(%arg12 : memref<64x128xf32, #tpu.memory_space<vmem>>) offsets(%dma_start3A_19 : memref<64xi32, #tpu.memory_space<vmem>>) semaphore(%arg13 : memref<!tpu.dma_semaphore, #tpu.memory_space<semaphore_mem>>)
    %dma_start3A_23 = arith.constant 0 : i32
    %dma_start3A_24 = arith.constant 0 : i32
    %dma_start3A_25 = tpu.memref_slice %arg8[%dma_start3A_23, %dma_start3A_24] : memref<4x64xi32, #tpu.memory_space<vmem>> -> memref<1x64xi32, #tpu.memory_space<vmem>>
    %dma_start3A_26 = tpu.memref_squeeze %dma_start3A_25 : memref<1x64xi32, #tpu.memory_space<vmem>> -> memref<64xi32, #tpu.memory_space<vmem>>
    %dma_start3A_27 = arith.constant 0 : i32
    %dma_start3A_28 = arith.constant 0 : i32
    %dma_start3A_29 = tpu.memref_slice %arg2[%dma_start3A_27, %dma_start3A_28] : memref<100000x128xf32, #tpu.memory_space<hbm>> -> memref<100000x128xf32, #tpu.memory_space<hbm>>
    tpu.enqueue_indirect_dma source(%dma_start3A_29 : memref<100000x128xf32, #tpu.memory_space<hbm>>) target(%arg9 : memref<64x128xf32, #tpu.memory_space<vmem>>) offsets(%dma_start3A_26 : memref<64xi32, #tpu.memory_space<vmem>>) semaphore(%arg13 : memref<!tpu.dma_semaphore, #tpu.memory_space<semaphore_mem>>)
    %dma_wait3A = arith.constant 1 : i32
    %dma_wait3A_30 = arith.constant 0 : i32
    %dma_wait3A_31 = tpu.memref_slice %arg8[%dma_wait3A, %dma_wait3A_30] : memref<4x64xi32, #tpu.memory_space<vmem>> -> memref<1x64xi32, #tpu.memory_space<vmem>>
    %dma_wait3A_32 = tpu.memref_squeeze %dma_wait3A_31 : memref<1x64xi32, #tpu.memory_space<vmem>> -> memref<64xi32, #tpu.memory_space<vmem>>
    %dma_wait3A_33 = arith.constant 0 : i32
    %dma_wait3A_34 = arith.constant 0 : i32
    %dma_wait3A_35 = tpu.memref_slice %arg3[%dma_wait3A_33, %dma_wait3A_34] : memref<50000x128xf32, #tpu.memory_space<hbm>> -> memref<50000x128xf32, #tpu.memory_space<hbm>>
    tpu.wait_indirect_dma semaphore(%arg13 : memref<!tpu.dma_semaphore, #tpu.memory_space<semaphore_mem>>) src(%dma_wait3A_35 : memref<50000x128xf32, #tpu.memory_space<hbm>>) dst(%arg10 : memref<64x128xf32, #tpu.memory_space<vmem>>)
    %dma_wait3A_36 = arith.constant 2 : i32
    %dma_wait3A_37 = arith.constant 0 : i32
    %dma_wait3A_38 = tpu.memref_slice %arg8[%dma_wait3A_36, %dma_wait3A_37] : memref<4x64xi32, #tpu.memory_space<vmem>> -> memref<1x64xi32, #tpu.memory_space<vmem>>
    %dma_wait3A_39 = tpu.memref_squeeze %dma_wait3A_38 : memref<1x64xi32, #tpu.memory_space<vmem>> -> memref<64xi32, #tpu.memory_space<vmem>>
    %dma_wait3A_40 = arith.constant 0 : i32
    %dma_wait3A_41 = arith.constant 0 : i32
    %dma_wait3A_42 = tpu.memref_slice %arg3[%dma_wait3A_40, %dma_wait3A_41] : memref<50000x128xf32, #tpu.memory_space<hbm>> -> memref<50000x128xf32, #tpu.memory_space<hbm>>
    tpu.wait_indirect_dma semaphore(%arg13 : memref<!tpu.dma_semaphore, #tpu.memory_space<semaphore_mem>>) src(%dma_wait3A_42 : memref<50000x128xf32, #tpu.memory_space<hbm>>) dst(%arg11 : memref<64x128xf32, #tpu.memory_space<vmem>>)
    %dma_wait3A_43 = arith.constant 3 : i32
    %dma_wait3A_44 = arith.constant 0 : i32
    %dma_wait3A_45 = tpu.memref_slice %arg8[%dma_wait3A_43, %dma_wait3A_44] : memref<4x64xi32, #tpu.memory_space<vmem>> -> memref<1x64xi32, #tpu.memory_space<vmem>>
    %dma_wait3A_46 = tpu.memref_squeeze %dma_wait3A_45 : memref<1x64xi32, #tpu.memory_space<vmem>> -> memref<64xi32, #tpu.memory_space<vmem>>
    %dma_wait3A_47 = arith.constant 0 : i32
    %dma_wait3A_48 = arith.constant 0 : i32
    %dma_wait3A_49 = tpu.memref_slice %arg4[%dma_wait3A_47, %dma_wait3A_48] : memref<100x128xf32, #tpu.memory_space<hbm>> -> memref<100x128xf32, #tpu.memory_space<hbm>>
    tpu.wait_indirect_dma semaphore(%arg13 : memref<!tpu.dma_semaphore, #tpu.memory_space<semaphore_mem>>) src(%dma_wait3A_49 : memref<100x128xf32, #tpu.memory_space<hbm>>) dst(%arg12 : memref<64x128xf32, #tpu.memory_space<vmem>>)
    %scan3A = arith.constant 0 : i32
    %scan3A_50 = arith.constant 0 : i32
    %scan3A_51 = arith.constant 32 : i32
    %scan3A_52 = arith.addi %scan3A_50, %scan3A_51 : i32
    %scan3A_53 = arith.constant 1 : i32
    scf.for %scan3A_118 = %scan3A_50 to %scan3A_52 step %scan3A_53  : i32 {
      %get3A = arith.index_cast %scan3A_118 : i32 to index
      %get3A_119 = arith.constant 0 : index
      %get3A_120 = tpu.vector_load %arg10[%get3A, %get3A_119] {strides = array<i32>} : memref<64x128xf32, #tpu.memory_space<vmem>>, vector<1x16xf32>,
      %get3A_121 = vector.shape_cast %get3A_120 : vector<1x16xf32> to vector<16xf32>
      %get3A_122 = arith.index_cast %scan3A_118 : i32 to index
      %get3A_123 = arith.constant 0 : index
      %get3A_124 = tpu.vector_load %arg11[%get3A_122, %get3A_123] {strides = array<i32>} : memref<64x128xf32, #tpu.memory_space<vmem>>, vector<1x16xf32>,
      %get3A_125 = vector.shape_cast %get3A_124 : vector<1x16xf32> to vector<16xf32>
      %add3A_126 = arith.addf %get3A_121, %get3A_125 : vector<16xf32>
      %get3A_127 = arith.index_cast %scan3A_118 : i32 to index
      %get3A_128 = arith.constant 0 : index
      %get3A_129 = tpu.vector_load %arg12[%get3A_127, %get3A_128] {strides = array<i32>} : memref<64x128xf32, #tpu.memory_space<vmem>>, vector<1x16xf32>,
      %get3A_130 = vector.shape_cast %get3A_129 : vector<1x16xf32> to vector<16xf32>
      %add3A_131 = arith.addf %add3A_126, %get3A_130 : vector<16xf32>
      %swap3A = arith.index_cast %scan3A_118 : i32 to index
      %swap3A_132 = arith.constant 0 : index
      %swap3A_133 = tpu.vector_load %arg10[%swap3A, %swap3A_132] {strides = array<i32>} : memref<64x128xf32, #tpu.memory_space<vmem>>, vector<1x16xf32>,
      %swap3A_134 = vector.shape_cast %swap3A_133 : vector<1x16xf32> to vector<16xf32>
      %swap3A_135 = vector.shape_cast %add3A_131 : vector<16xf32> to vector<1x16xf32>
      tpu.vector_store %arg10[%swap3A, %swap3A_132], %swap3A_135 {strides = array<i32>} : memref<64x128xf32, #tpu.memory_space<vmem>>, vector<1x16xf32>,
      %get3A_136 = arith.index_cast %scan3A_118 : i32 to index
      %get3A_137 = arith.constant 16 : index
      %get3A_138 = tpu.vector_load %arg10[%get3A_136, %get3A_137] {strides = array<i32>} : memref<64x128xf32, #tpu.memory_space<vmem>>, vector<1x16xf32>,
      %get3A_139 = vector.shape_cast %get3A_138 : vector<1x16xf32> to vector<16xf32>
      %get3A_140 = arith.index_cast %scan3A_118 : i32 to index
      %get3A_141 = arith.constant 16 : index
      %get3A_142 = tpu.vector_load %arg11[%get3A_140, %get3A_141] {strides = array<i32>} : memref<64x128xf32, #tpu.memory_space<vmem>>, vector<1x16xf32>,
      %get3A_143 = vector.shape_cast %get3A_142 : vector<1x16xf32> to vector<16xf32>
      %add3A_144 = arith.addf %get3A_139, %get3A_143 : vector<16xf32>
      %get3A_145 = arith.index_cast %scan3A_118 : i32 to index
      %get3A_146 = arith.constant 16 : index
      %get3A_147 = tpu.vector_load %arg12[%get3A_145, %get3A_146] {strides = array<i32>} : memref<64x128xf32, #tpu.memory_space<vmem>>, vector<1x16xf32>,
      %get3A_148 = vector.shape_cast %get3A_147 : vector<1x16xf32> to vector<16xf32>
      %add3A_149 = arith.addf %add3A_144, %get3A_148 : vector<16xf32>
      %swap3A_150 = arith.index_cast %scan3A_118 : i32 to index
      %swap3A_151 = arith.constant 16 : index
      %swap3A_152 = tpu.vector_load %arg10[%swap3A_150, %swap3A_151] {strides = array<i32>} : memref<64x128xf32, #tpu.memory_space<vmem>>, vector<1x16xf32>,
      %swap3A_153 = vector.shape_cast %swap3A_152 : vector<1x16xf32> to vector<16xf32>
      %swap3A_154 = vector.shape_cast %add3A_149 : vector<16xf32> to vector<1x16xf32>
      tpu.vector_store %arg10[%swap3A_150, %swap3A_151], %swap3A_154 {strides = array<i32>} : memref<64x128xf32, #tpu.memory_space<vmem>>, vector<1x16xf32>,
      %get3A_155 = arith.index_cast %scan3A_118 : i32 to index
      %get3A_156 = arith.constant 32 : index
      %get3A_157 = tpu.vector_load %arg10[%get3A_155, %get3A_156] {strides = array<i32>} : memref<64x128xf32, #tpu.memory_space<vmem>>, vector<1x16xf32>,
      %get3A_158 = vector.shape_cast %get3A_157 : vector<1x16xf32> to vector<16xf32>
      %get3A_159 = arith.index_cast %scan3A_118 : i32 to index
      %get3A_160 = arith.constant 32 : index
      %get3A_161 = tpu.vector_load %arg11[%get3A_159, %get3A_160] {strides = array<i32>} : memref<64x128xf32, #tpu.memory_space<vmem>>, vector<1x16xf32>,
      %get3A_162 = vector.shape_cast %get3A_161 : vector<1x16xf32> to vector<16xf32>
      %add3A_163 = arith.addf %get3A_158, %get3A_162 : vector<16xf32>
      %get3A_164 = arith.index_cast %scan3A_118 : i32 to index
      %get3A_165 = arith.constant 32 : index
      %get3A_166 = tpu.vector_load %arg12[%get3A_164, %get3A_165] {strides = array<i32>} : memref<64x128xf32, #tpu.memory_space<vmem>>, vector<1x16xf32>,
      %get3A_167 = vector.shape_cast %get3A_166 : vector<1x16xf32> to vector<16xf32>
      %add3A_168 = arith.addf %add3A_163, %get3A_167 : vector<16xf32>
      %swap3A_169 = arith.index_cast %scan3A_118 : i32 to index
      %swap3A_170 = arith.constant 32 : index
      %swap3A_171 = tpu.vector_load %arg10[%swap3A_169, %swap3A_170] {strides = array<i32>} : memref<64x128xf32, #tpu.memory_space<vmem>>, vector<1x16xf32>,
      %swap3A_172 = vector.shape_cast %swap3A_171 : vector<1x16xf32> to vector<16xf32>
      %swap3A_173 = vector.shape_cast %add3A_168 : vector<16xf32> to vector<1x16xf32>
      tpu.vector_store %arg10[%swap3A_169, %swap3A_170], %swap3A_173 {strides = array<i32>} : memref<64x128xf32, #tpu.memory_space<vmem>>, vector<1x16xf32>,
      %get3A_174 = arith.index_cast %scan3A_118 : i32 to index
      %get3A_175 = arith.constant 48 : index
      %get3A_176 = tpu.vector_load %arg10[%get3A_174, %get3A_175] {strides = array<i32>} : memref<64x128xf32, #tpu.memory_space<vmem>>, vector<1x16xf32>,
      %get3A_177 = vector.shape_cast %get3A_176 : vector<1x16xf32> to vector<16xf32>
      %get3A_178 = arith.index_cast %scan3A_118 : i32 to index
      %get3A_179 = arith.constant 48 : index
      %get3A_180 = tpu.vector_load %arg11[%get3A_178, %get3A_179] {strides = array<i32>} : memref<64x128xf32, #tpu.memory_space<vmem>>, vector<1x16xf32>,
      %get3A_181 = vector.shape_cast %get3A_180 : vector<1x16xf32> to vector<16xf32>
      %add3A_182 = arith.addf %get3A_177, %get3A_181 : vector<16xf32>
      %get3A_183 = arith.index_cast %scan3A_118 : i32 to index
      %get3A_184 = arith.constant 48 : index
      %get3A_185 = tpu.vector_load %arg12[%get3A_183, %get3A_184] {strides = array<i32>} : memref<64x128xf32, #tpu.memory_space<vmem>>, vector<1x16xf32>,
      %get3A_186 = vector.shape_cast %get3A_185 : vector<1x16xf32> to vector<16xf32>
      %add3A_187 = arith.addf %add3A_182, %get3A_186 : vector<16xf32>
      %swap3A_188 = arith.index_cast %scan3A_118 : i32 to index
      %swap3A_189 = arith.constant 48 : index
      %swap3A_190 = tpu.vector_load %arg10[%swap3A_188, %swap3A_189] {strides = array<i32>} : memref<64x128xf32, #tpu.memory_space<vmem>>, vector<1x16xf32>,
      %swap3A_191 = vector.shape_cast %swap3A_190 : vector<1x16xf32> to vector<16xf32>
      %swap3A_192 = vector.shape_cast %add3A_187 : vector<16xf32> to vector<1x16xf32>
      tpu.vector_store %arg10[%swap3A_188, %swap3A_189], %swap3A_192 {strides = array<i32>} : memref<64x128xf32, #tpu.memory_space<vmem>>, vector<1x16xf32>,
      %get3A_193 = arith.index_cast %scan3A_118 : i32 to index
      %get3A_194 = arith.constant 64 : index
      %get3A_195 = tpu.vector_load %arg10[%get3A_193, %get3A_194] {strides = array<i32>} : memref<64x128xf32, #tpu.memory_space<vmem>>, vector<1x16xf32>,
      %get3A_196 = vector.shape_cast %get3A_195 : vector<1x16xf32> to vector<16xf32>
      %get3A_197 = arith.index_cast %scan3A_118 : i32 to index
      %get3A_198 = arith.constant 64 : index
      %get3A_199 = tpu.vector_load %arg11[%get3A_197, %get3A_198] {strides = array<i32>} : memref<64x128xf32, #tpu.memory_space<vmem>>, vector<1x16xf32>,
      %get3A_200 = vector.shape_cast %get3A_199 : vector<1x16xf32> to vector<16xf32>
      %add3A_201 = arith.addf %get3A_196, %get3A_200 : vector<16xf32>
      %get3A_202 = arith.index_cast %scan3A_118 : i32 to index
      %get3A_203 = arith.constant 64 : index
      %get3A_204 = tpu.vector_load %arg12[%get3A_202, %get3A_203] {strides = array<i32>} : memref<64x128xf32, #tpu.memory_space<vmem>>, vector<1x16xf32>,
      %get3A_205 = vector.shape_cast %get3A_204 : vector<1x16xf32> to vector<16xf32>
      %add3A_206 = arith.addf %add3A_201, %get3A_205 : vector<16xf32>
      %swap3A_207 = arith.index_cast %scan3A_118 : i32 to index
      %swap3A_208 = arith.constant 64 : index
      %swap3A_209 = tpu.vector_load %arg10[%swap3A_207, %swap3A_208] {strides = array<i32>} : memref<64x128xf32, #tpu.memory_space<vmem>>, vector<1x16xf32>,
      %swap3A_210 = vector.shape_cast %swap3A_209 : vector<1x16xf32> to vector<16xf32>
      %swap3A_211 = vector.shape_cast %add3A_206 : vector<16xf32> to vector<1x16xf32>
      tpu.vector_store %arg10[%swap3A_207, %swap3A_208], %swap3A_211 {strides = array<i32>} : memref<64x128xf32, #tpu.memory_space<vmem>>, vector<1x16xf32>,
      %get3A_212 = arith.index_cast %scan3A_118 : i32 to index
      %get3A_213 = arith.constant 80 : index
      %get3A_214 = tpu.vector_load %arg10[%get3A_212, %get3A_213] {strides = array<i32>} : memref<64x128xf32, #tpu.memory_space<vmem>>, vector<1x16xf32>,
      %get3A_215 = vector.shape_cast %get3A_214 : vector<1x16xf32> to vector<16xf32>
      %get3A_216 = arith.index_cast %scan3A_118 : i32 to index
      %get3A_217 = arith.constant 80 : index
      %get3A_218 = tpu.vector_load %arg11[%get3A_216, %get3A_217] {strides = array<i32>} : memref<64x128xf32, #tpu.memory_space<vmem>>, vector<1x16xf32>,
      %get3A_219 = vector.shape_cast %get3A_218 : vector<1x16xf32> to vector<16xf32>
      %add3A_220 = arith.addf %get3A_215, %get3A_219 : vector<16xf32>
      %get3A_221 = arith.index_cast %scan3A_118 : i32 to index
      %get3A_222 = arith.constant 80 : index
      %get3A_223 = tpu.vector_load %arg12[%get3A_221, %get3A_222] {strides = array<i32>} : memref<64x128xf32, #tpu.memory_space<vmem>>, vector<1x16xf32>,
      %get3A_224 = vector.shape_cast %get3A_223 : vector<1x16xf32> to vector<16xf32>
      %add3A_225 = arith.addf %add3A_220, %get3A_224 : vector<16xf32>
      %swap3A_226 = arith.index_cast %scan3A_118 : i32 to index
      %swap3A_227 = arith.constant 80 : index
      %swap3A_228 = tpu.vector_load %arg10[%swap3A_226, %swap3A_227] {strides = array<i32>} : memref<64x128xf32, #tpu.memory_space<vmem>>, vector<1x16xf32>,
      %swap3A_229 = vector.shape_cast %swap3A_228 : vector<1x16xf32> to vector<16xf32>
      %swap3A_230 = vector.shape_cast %add3A_225 : vector<16xf32> to vector<1x16xf32>
      tpu.vector_store %arg10[%swap3A_226, %swap3A_227], %swap3A_230 {strides = array<i32>} : memref<64x128xf32, #tpu.memory_space<vmem>>, vector<1x16xf32>,
      %get3A_231 = arith.index_cast %scan3A_118 : i32 to index
      %get3A_232 = arith.constant 96 : index
      %get3A_233 = tpu.vector_load %arg10[%get3A_231, %get3A_232] {strides = array<i32>} : memref<64x128xf32, #tpu.memory_space<vmem>>, vector<1x16xf32>,
      %get3A_234 = vector.shape_cast %get3A_233 : vector<1x16xf32> to vector<16xf32>
      %get3A_235 = arith.index_cast %scan3A_118 : i32 to index
      %get3A_236 = arith.constant 96 : index
      %get3A_237 = tpu.vector_load %arg11[%get3A_235, %get3A_236] {strides = array<i32>} : memref<64x128xf32, #tpu.memory_space<vmem>>, vector<1x16xf32>,
      %get3A_238 = vector.shape_cast %get3A_237 : vector<1x16xf32> to vector<16xf32>
      %add3A_239 = arith.addf %get3A_234, %get3A_238 : vector<16xf32>
      %get3A_240 = arith.index_cast %scan3A_118 : i32 to index
      %get3A_241 = arith.constant 96 : index
      %get3A_242 = tpu.vector_load %arg12[%get3A_240, %get3A_241] {strides = array<i32>} : memref<64x128xf32, #tpu.memory_space<vmem>>, vector<1x16xf32>,
      %get3A_243 = vector.shape_cast %get3A_242 : vector<1x16xf32> to vector<16xf32>
      %add3A_244 = arith.addf %add3A_239, %get3A_243 : vector<16xf32>
      %swap3A_245 = arith.index_cast %scan3A_118 : i32 to index
      %swap3A_246 = arith.constant 96 : index
      %swap3A_247 = tpu.vector_load %arg10[%swap3A_245, %swap3A_246] {strides = array<i32>} : memref<64x128xf32, #tpu.memory_space<vmem>>, vector<1x16xf32>,
      %swap3A_248 = vector.shape_cast %swap3A_247 : vector<1x16xf32> to vector<16xf32>
      %swap3A_249 = vector.shape_cast %add3A_244 : vector<16xf32> to vector<1x16xf32>
      tpu.vector_store %arg10[%swap3A_245, %swap3A_246], %swap3A_249 {strides = array<i32>} : memref<64x128xf32, #tpu.memory_space<vmem>>, vector<1x16xf32>,
      %get3A_250 = arith.index_cast %scan3A_118 : i32 to index
      %get3A_251 = arith.constant 112 : index
      %get3A_252 = tpu.vector_load %arg10[%get3A_250, %get3A_251] {strides = array<i32>} : memref<64x128xf32, #tpu.memory_space<vmem>>, vector<1x16xf32>,
      %get3A_253 = vector.shape_cast %get3A_252 : vector<1x16xf32> to vector<16xf32>
      %get3A_254 = arith.index_cast %scan3A_118 : i32 to index
      %get3A_255 = arith.constant 112 : index
      %get3A_256 = tpu.vector_load %arg11[%get3A_254, %get3A_255] {strides = array<i32>} : memref<64x128xf32, #tpu.memory_space<vmem>>, vector<1x16xf32>,
      %get3A_257 = vector.shape_cast %get3A_256 : vector<1x16xf32> to vector<16xf32>
      %add3A_258 = arith.addf %get3A_253, %get3A_257 : vector<16xf32>
      %get3A_259 = arith.index_cast %scan3A_118 : i32 to index
      %get3A_260 = arith.constant 112 : index
      %get3A_261 = tpu.vector_load %arg12[%get3A_259, %get3A_260] {strides = array<i32>} : memref<64x128xf32, #tpu.memory_space<vmem>>, vector<1x16xf32>,
      %get3A_262 = vector.shape_cast %get3A_261 : vector<1x16xf32> to vector<16xf32>
      %add3A_263 = arith.addf %add3A_258, %get3A_262 : vector<16xf32>
      %swap3A_264 = arith.index_cast %scan3A_118 : i32 to index
      %swap3A_265 = arith.constant 112 : index
      %swap3A_266 = tpu.vector_load %arg10[%swap3A_264, %swap3A_265] {strides = array<i32>} : memref<64x128xf32, #tpu.memory_space<vmem>>, vector<1x16xf32>,
      %swap3A_267 = vector.shape_cast %swap3A_266 : vector<1x16xf32> to vector<16xf32>
      %swap3A_268 = vector.shape_cast %add3A_263 : vector<16xf32> to vector<1x16xf32>
      tpu.vector_store %arg10[%swap3A_264, %swap3A_265], %swap3A_268 {strides = array<i32>} : memref<64x128xf32, #tpu.memory_space<vmem>>, vector<1x16xf32>,
    }
    %scan3A_54 = arith.constant 32 : i32
    %dma_start3A_55 = arith.constant 0 : i32
    %dma_start3A_56 = arith.constant 0 : i32
    %dma_start3A_57 = tpu.memref_slice %arg10[%dma_start3A_55, %dma_start3A_56] : memref<64x128xf32, #tpu.memory_space<vmem>> -> memref<32x128xf32, #tpu.memory_space<vmem>>
    %dma_start3A_58 = arith.constant 0 : i32
    %dma_start3A_59 = tpu.memref_slice %arg7[%mul3A_2, %dma_start3A_58] : memref<2048x128xf32, #tpu.memory_space<hbm>> -> memref<32x128xf32, #tpu.memory_space<hbm>>
    %dma_start3A_60 = arith.constant 0 : i32
    %dma_start3A_61 = tpu.memref_slice %arg7[%mul3A_2, %dma_start3A_60] : memref<2048x128xf32, #tpu.memory_space<hbm>> -> memref<32x128xf32, #tpu.memory_space<hbm>>
    %dma_start3A_62 = arith.constant 0 : i32
    %dma_start3A_63 = arith.constant 0 : i32
    %dma_start3A_64 = tpu.memref_slice %arg10[%dma_start3A_62, %dma_start3A_63] : memref<64x128xf32, #tpu.memory_space<vmem>> -> memref<32x128xf32, #tpu.memory_space<vmem>>
    tpu.enqueue_dma source(%dma_start3A_64 : memref<32x128xf32, #tpu.memory_space<vmem>>) target(%dma_start3A_61 : memref<32x128xf32, #tpu.memory_space<hbm>>) target_semaphore(%arg14 : memref<!tpu.dma_semaphore, #tpu.memory_space<semaphore_mem>>)
    %scan3A_65 = arith.constant 0 : i32
    %scan3A_66 = arith.constant 32 : i32
    %scan3A_67 = arith.constant 32 : i32
    %scan3A_68 = arith.addi %scan3A_66, %scan3A_67 : i32
    %scan3A_69 = arith.constant 1 : i32
    scf.for %scan3A_118 = %scan3A_66 to %scan3A_68 step %scan3A_69  : i32 {
      %get3A = arith.index_cast %scan3A_118 : i32 to index
      %get3A_119 = arith.constant 0 : index
      %get3A_120 = tpu.vector_load %arg10[%get3A, %get3A_119] {strides = array<i32>} : memref<64x128xf32, #tpu.memory_space<vmem>>, vector<1x16xf32>,
      %get3A_121 = vector.shape_cast %get3A_120 : vector<1x16xf32> to vector<16xf32>
      %get3A_122 = arith.index_cast %scan3A_118 : i32 to index
      %get3A_123 = arith.constant 0 : index
      %get3A_124 = tpu.vector_load %arg11[%get3A_122, %get3A_123] {strides = array<i32>} : memref<64x128xf32, #tpu.memory_space<vmem>>, vector<1x16xf32>,
      %get3A_125 = vector.shape_cast %get3A_124 : vector<1x16xf32> to vector<16xf32>
      %add3A_126 = arith.addf %get3A_121, %get3A_125 : vector<16xf32>
      %get3A_127 = arith.index_cast %scan3A_118 : i32 to index
      %get3A_128 = arith.constant 0 : index
      %get3A_129 = tpu.vector_load %arg12[%get3A_127, %get3A_128] {strides = array<i32>} : memref<64x128xf32, #tpu.memory_space<vmem>>, vector<1x16xf32>,
      %get3A_130 = vector.shape_cast %get3A_129 : vector<1x16xf32> to vector<16xf32>
      %add3A_131 = arith.addf %add3A_126, %get3A_130 : vector<16xf32>
      %swap3A = arith.index_cast %scan3A_118 : i32 to index
      %swap3A_132 = arith.constant 0 : index
      %swap3A_133 = tpu.vector_load %arg10[%swap3A, %swap3A_132] {strides = array<i32>} : memref<64x128xf32, #tpu.memory_space<vmem>>, vector<1x16xf32>,
      %swap3A_134 = vector.shape_cast %swap3A_133 : vector<1x16xf32> to vector<16xf32>
      %swap3A_135 = vector.shape_cast %add3A_131 : vector<16xf32> to vector<1x16xf32>
      tpu.vector_store %arg10[%swap3A, %swap3A_132], %swap3A_135 {strides = array<i32>} : memref<64x128xf32, #tpu.memory_space<vmem>>, vector<1x16xf32>,
      %get3A_136 = arith.index_cast %scan3A_118 : i32 to index
      %get3A_137 = arith.constant 16 : index
      %get3A_138 = tpu.vector_load %arg10[%get3A_136, %get3A_137] {strides = array<i32>} : memref<64x128xf32, #tpu.memory_space<vmem>>, vector<1x16xf32>,
      %get3A_139 = vector.shape_cast %get3A_138 : vector<1x16xf32> to vector<16xf32>
      %get3A_140 = arith.index_cast %scan3A_118 : i32 to index
      %get3A_141 = arith.constant 16 : index
      %get3A_142 = tpu.vector_load %arg11[%get3A_140, %get3A_141] {strides = array<i32>} : memref<64x128xf32, #tpu.memory_space<vmem>>, vector<1x16xf32>,
      %get3A_143 = vector.shape_cast %get3A_142 : vector<1x16xf32> to vector<16xf32>
      %add3A_144 = arith.addf %get3A_139, %get3A_143 : vector<16xf32>
      %get3A_145 = arith.index_cast %scan3A_118 : i32 to index
      %get3A_146 = arith.constant 16 : index
      %get3A_147 = tpu.vector_load %arg12[%get3A_145, %get3A_146] {strides = array<i32>} : memref<64x128xf32, #tpu.memory_space<vmem>>, vector<1x16xf32>,
      %get3A_148 = vector.shape_cast %get3A_147 : vector<1x16xf32> to vector<16xf32>
      %add3A_149 = arith.addf %add3A_144, %get3A_148 : vector<16xf32>
      %swap3A_150 = arith.index_cast %scan3A_118 : i32 to index
      %swap3A_151 = arith.constant 16 : index
      %swap3A_152 = tpu.vector_load %arg10[%swap3A_150, %swap3A_151] {strides = array<i32>} : memref<64x128xf32, #tpu.memory_space<vmem>>, vector<1x16xf32>,
      %swap3A_153 = vector.shape_cast %swap3A_152 : vector<1x16xf32> to vector<16xf32>
      %swap3A_154 = vector.shape_cast %add3A_149 : vector<16xf32> to vector<1x16xf32>
      tpu.vector_store %arg10[%swap3A_150, %swap3A_151], %swap3A_154 {strides = array<i32>} : memref<64x128xf32, #tpu.memory_space<vmem>>, vector<1x16xf32>,
      %get3A_155 = arith.index_cast %scan3A_118 : i32 to index
      %get3A_156 = arith.constant 32 : index
      %get3A_157 = tpu.vector_load %arg10[%get3A_155, %get3A_156] {strides = array<i32>} : memref<64x128xf32, #tpu.memory_space<vmem>>, vector<1x16xf32>,
      %get3A_158 = vector.shape_cast %get3A_157 : vector<1x16xf32> to vector<16xf32>
      %get3A_159 = arith.index_cast %scan3A_118 : i32 to index
      %get3A_160 = arith.constant 32 : index
      %get3A_161 = tpu.vector_load %arg11[%get3A_159, %get3A_160] {strides = array<i32>} : memref<64x128xf32, #tpu.memory_space<vmem>>, vector<1x16xf32>,
      %get3A_162 = vector.shape_cast %get3A_161 : vector<1x16xf32> to vector<16xf32>
      %add3A_163 = arith.addf %get3A_158, %get3A_162 : vector<16xf32>
      %get3A_164 = arith.index_cast %scan3A_118 : i32 to index
      %get3A_165 = arith.constant 32 : index
      %get3A_166 = tpu.vector_load %arg12[%get3A_164, %get3A_165] {strides = array<i32>} : memref<64x128xf32, #tpu.memory_space<vmem>>, vector<1x16xf32>,
      %get3A_167 = vector.shape_cast %get3A_166 : vector<1x16xf32> to vector<16xf32>
      %add3A_168 = arith.addf %add3A_163, %get3A_167 : vector<16xf32>
      %swap3A_169 = arith.index_cast %scan3A_118 : i32 to index
      %swap3A_170 = arith.constant 32 : index
      %swap3A_171 = tpu.vector_load %arg10[%swap3A_169, %swap3A_170] {strides = array<i32>} : memref<64x128xf32, #tpu.memory_space<vmem>>, vector<1x16xf32>,
      %swap3A_172 = vector.shape_cast %swap3A_171 : vector<1x16xf32> to vector<16xf32>
      %swap3A_173 = vector.shape_cast %add3A_168 : vector<16xf32> to vector<1x16xf32>
      tpu.vector_store %arg10[%swap3A_169, %swap3A_170], %swap3A_173 {strides = array<i32>} : memref<64x128xf32, #tpu.memory_space<vmem>>, vector<1x16xf32>,
      %get3A_174 = arith.index_cast %scan3A_118 : i32 to index
      %get3A_175 = arith.constant 48 : index
      %get3A_176 = tpu.vector_load %arg10[%get3A_174, %get3A_175] {strides = array<i32>} : memref<64x128xf32, #tpu.memory_space<vmem>>, vector<1x16xf32>,
      %get3A_177 = vector.shape_cast %get3A_176 : vector<1x16xf32> to vector<16xf32>
      %get3A_178 = arith.index_cast %scan3A_118 : i32 to index
      %get3A_179 = arith.constant 48 : index
      %get3A_180 = tpu.vector_load %arg11[%get3A_178, %get3A_179] {strides = array<i32>} : memref<64x128xf32, #tpu.memory_space<vmem>>, vector<1x16xf32>,
      %get3A_181 = vector.shape_cast %get3A_180 : vector<1x16xf32> to vector<16xf32>
      %add3A_182 = arith.addf %get3A_177, %get3A_181 : vector<16xf32>
      %get3A_183 = arith.index_cast %scan3A_118 : i32 to index
      %get3A_184 = arith.constant 48 : index
      %get3A_185 = tpu.vector_load %arg12[%get3A_183, %get3A_184] {strides = array<i32>} : memref<64x128xf32, #tpu.memory_space<vmem>>, vector<1x16xf32>,
      %get3A_186 = vector.shape_cast %get3A_185 : vector<1x16xf32> to vector<16xf32>
      %add3A_187 = arith.addf %add3A_182, %get3A_186 : vector<16xf32>
      %swap3A_188 = arith.index_cast %scan3A_118 : i32 to index
      %swap3A_189 = arith.constant 48 : index
      %swap3A_190 = tpu.vector_load %arg10[%swap3A_188, %swap3A_189] {strides = array<i32>} : memref<64x128xf32, #tpu.memory_space<vmem>>, vector<1x16xf32>,
      %swap3A_191 = vector.shape_cast %swap3A_190 : vector<1x16xf32> to vector<16xf32>
      %swap3A_192 = vector.shape_cast %add3A_187 : vector<16xf32> to vector<1x16xf32>
      tpu.vector_store %arg10[%swap3A_188, %swap3A_189], %swap3A_192 {strides = array<i32>} : memref<64x128xf32, #tpu.memory_space<vmem>>, vector<1x16xf32>,
      %get3A_193 = arith.index_cast %scan3A_118 : i32 to index
      %get3A_194 = arith.constant 64 : index
      %get3A_195 = tpu.vector_load %arg10[%get3A_193, %get3A_194] {strides = array<i32>} : memref<64x128xf32, #tpu.memory_space<vmem>>, vector<1x16xf32>,
      %get3A_196 = vector.shape_cast %get3A_195 : vector<1x16xf32> to vector<16xf32>
      %get3A_197 = arith.index_cast %scan3A_118 : i32 to index
      %get3A_198 = arith.constant 64 : index
      %get3A_199 = tpu.vector_load %arg11[%get3A_197, %get3A_198] {strides = array<i32>} : memref<64x128xf32, #tpu.memory_space<vmem>>, vector<1x16xf32>,
      %get3A_200 = vector.shape_cast %get3A_199 : vector<1x16xf32> to vector<16xf32>
      %add3A_201 = arith.addf %get3A_196, %get3A_200 : vector<16xf32>
      %get3A_202 = arith.index_cast %scan3A_118 : i32 to index
      %get3A_203 = arith.constant 64 : index
      %get3A_204 = tpu.vector_load %arg12[%get3A_202, %get3A_203] {strides = array<i32>} : memref<64x128xf32, #tpu.memory_space<vmem>>, vector<1x16xf32>,
      %get3A_205 = vector.shape_cast %get3A_204 : vector<1x16xf32> to vector<16xf32>
      %add3A_206 = arith.addf %add3A_201, %get3A_205 : vector<16xf32>
      %swap3A_207 = arith.index_cast %scan3A_118 : i32 to index
      %swap3A_208 = arith.constant 64 : index
      %swap3A_209 = tpu.vector_load %arg10[%swap3A_207, %swap3A_208] {strides = array<i32>} : memref<64x128xf32, #tpu.memory_space<vmem>>, vector<1x16xf32>,
      %swap3A_210 = vector.shape_cast %swap3A_209 : vector<1x16xf32> to vector<16xf32>
      %swap3A_211 = vector.shape_cast %add3A_206 : vector<16xf32> to vector<1x16xf32>
      tpu.vector_store %arg10[%swap3A_207, %swap3A_208], %swap3A_211 {strides = array<i32>} : memref<64x128xf32, #tpu.memory_space<vmem>>, vector<1x16xf32>,
      %get3A_212 = arith.index_cast %scan3A_118 : i32 to index
      %get3A_213 = arith.constant 80 : index
      %get3A_214 = tpu.vector_load %arg10[%get3A_212, %get3A_213] {strides = array<i32>} : memref<64x128xf32, #tpu.memory_space<vmem>>, vector<1x16xf32>,
      %get3A_215 = vector.shape_cast %get3A_214 : vector<1x16xf32> to vector<16xf32>
      %get3A_216 = arith.index_cast %scan3A_118 : i32 to index
      %get3A_217 = arith.constant 80 : index
      %get3A_218 = tpu.vector_load %arg11[%get3A_216, %get3A_217] {strides = array<i32>} : memref<64x128xf32, #tpu.memory_space<vmem>>, vector<1x16xf32>,
      %get3A_219 = vector.shape_cast %get3A_218 : vector<1x16xf32> to vector<16xf32>
      %add3A_220 = arith.addf %get3A_215, %get3A_219 : vector<16xf32>
      %get3A_221 = arith.index_cast %scan3A_118 : i32 to index
      %get3A_222 = arith.constant 80 : index
      %get3A_223 = tpu.vector_load %arg12[%get3A_221, %get3A_222] {strides = array<i32>} : memref<64x128xf32, #tpu.memory_space<vmem>>, vector<1x16xf32>,
      %get3A_224 = vector.shape_cast %get3A_223 : vector<1x16xf32> to vector<16xf32>
      %add3A_225 = arith.addf %add3A_220, %get3A_224 : vector<16xf32>
      %swap3A_226 = arith.index_cast %scan3A_118 : i32 to index
      %swap3A_227 = arith.constant 80 : index
      %swap3A_228 = tpu.vector_load %arg10[%swap3A_226, %swap3A_227] {strides = array<i32>} : memref<64x128xf32, #tpu.memory_space<vmem>>, vector<1x16xf32>,
      %swap3A_229 = vector.shape_cast %swap3A_228 : vector<1x16xf32> to vector<16xf32>
      %swap3A_230 = vector.shape_cast %add3A_225 : vector<16xf32> to vector<1x16xf32>
      tpu.vector_store %arg10[%swap3A_226, %swap3A_227], %swap3A_230 {strides = array<i32>} : memref<64x128xf32, #tpu.memory_space<vmem>>, vector<1x16xf32>,
      %get3A_231 = arith.index_cast %scan3A_118 : i32 to index
      %get3A_232 = arith.constant 96 : index
      %get3A_233 = tpu.vector_load %arg10[%get3A_231, %get3A_232] {strides = array<i32>} : memref<64x128xf32, #tpu.memory_space<vmem>>, vector<1x16xf32>,
      %get3A_234 = vector.shape_cast %get3A_233 : vector<1x16xf32> to vector<16xf32>
      %get3A_235 = arith.index_cast %scan3A_118 : i32 to index
      %get3A_236 = arith.constant 96 : index
      %get3A_237 = tpu.vector_load %arg11[%get3A_235, %get3A_236] {strides = array<i32>} : memref<64x128xf32, #tpu.memory_space<vmem>>, vector<1x16xf32>,
      %get3A_238 = vector.shape_cast %get3A_237 : vector<1x16xf32> to vector<16xf32>
      %add3A_239 = arith.addf %get3A_234, %get3A_238 : vector<16xf32>
      %get3A_240 = arith.index_cast %scan3A_118 : i32 to index
      %get3A_241 = arith.constant 96 : index
      %get3A_242 = tpu.vector_load %arg12[%get3A_240, %get3A_241] {strides = array<i32>} : memref<64x128xf32, #tpu.memory_space<vmem>>, vector<1x16xf32>,
      %get3A_243 = vector.shape_cast %get3A_242 : vector<1x16xf32> to vector<16xf32>
      %add3A_244 = arith.addf %add3A_239, %get3A_243 : vector<16xf32>
      %swap3A_245 = arith.index_cast %scan3A_118 : i32 to index
      %swap3A_246 = arith.constant 96 : index
      %swap3A_247 = tpu.vector_load %arg10[%swap3A_245, %swap3A_246] {strides = array<i32>} : memref<64x128xf32, #tpu.memory_space<vmem>>, vector<1x16xf32>,
      %swap3A_248 = vector.shape_cast %swap3A_247 : vector<1x16xf32> to vector<16xf32>
      %swap3A_249 = vector.shape_cast %add3A_244 : vector<16xf32> to vector<1x16xf32>
      tpu.vector_store %arg10[%swap3A_245, %swap3A_246], %swap3A_249 {strides = array<i32>} : memref<64x128xf32, #tpu.memory_space<vmem>>, vector<1x16xf32>,
      %get3A_250 = arith.index_cast %scan3A_118 : i32 to index
      %get3A_251 = arith.constant 112 : index
      %get3A_252 = tpu.vector_load %arg10[%get3A_250, %get3A_251] {strides = array<i32>} : memref<64x128xf32, #tpu.memory_space<vmem>>, vector<1x16xf32>,
      %get3A_253 = vector.shape_cast %get3A_252 : vector<1x16xf32> to vector<16xf32>
      %get3A_254 = arith.index_cast %scan3A_118 : i32 to index
      %get3A_255 = arith.constant 112 : index
      %get3A_256 = tpu.vector_load %arg11[%get3A_254, %get3A_255] {strides = array<i32>} : memref<64x128xf32, #tpu.memory_space<vmem>>, vector<1x16xf32>,
      %get3A_257 = vector.shape_cast %get3A_256 : vector<1x16xf32> to vector<16xf32>
      %add3A_258 = arith.addf %get3A_253, %get3A_257 : vector<16xf32>
      %get3A_259 = arith.index_cast %scan3A_118 : i32 to index
      %get3A_260 = arith.constant 112 : index
      %get3A_261 = tpu.vector_load %arg12[%get3A_259, %get3A_260] {strides = array<i32>} : memref<64x128xf32, #tpu.memory_space<vmem>>, vector<1x16xf32>,
      %get3A_262 = vector.shape_cast %get3A_261 : vector<1x16xf32> to vector<16xf32>
      %add3A_263 = arith.addf %add3A_258, %get3A_262 : vector<16xf32>
      %swap3A_264 = arith.index_cast %scan3A_118 : i32 to index
      %swap3A_265 = arith.constant 112 : index
      %swap3A_266 = tpu.vector_load %arg10[%swap3A_264, %swap3A_265] {strides = array<i32>} : memref<64x128xf32, #tpu.memory_space<vmem>>, vector<1x16xf32>,
      %swap3A_267 = vector.shape_cast %swap3A_266 : vector<1x16xf32> to vector<16xf32>
      %swap3A_268 = vector.shape_cast %add3A_263 : vector<16xf32> to vector<1x16xf32>
      tpu.vector_store %arg10[%swap3A_264, %swap3A_265], %swap3A_268 {strides = array<i32>} : memref<64x128xf32, #tpu.memory_space<vmem>>, vector<1x16xf32>,
    }
    %scan3A_70 = arith.constant 32 : i32
    %add3A_71 = arith.constant 32 : i32
    %add3A_72 = arith.addi %mul3A_2, %add3A_71 : i32
    %dma_start3A_73 = arith.constant 32 : i32
    %dma_start3A_74 = arith.constant 0 : i32
    %dma_start3A_75 = tpu.memref_slice %arg10[%dma_start3A_73, %dma_start3A_74] : memref<64x128xf32, #tpu.memory_space<vmem>> -> memref<32x128xf32, #tpu.memory_space<vmem>>
    %dma_start3A_76 = arith.constant 0 : i32
    %dma_start3A_77 = tpu.memref_slice %arg7[%add3A_72, %dma_start3A_76] : memref<2048x128xf32, #tpu.memory_space<hbm>> -> memref<32x128xf32, #tpu.memory_space<hbm>>
    %dma_start3A_78 = arith.constant 0 : i32
    %dma_start3A_79 = tpu.memref_slice %arg7[%add3A_72, %dma_start3A_78] : memref<2048x128xf32, #tpu.memory_space<hbm>> -> memref<32x128xf32, #tpu.memory_space<hbm>>
    %dma_start3A_80 = arith.constant 32 : i32
    %dma_start3A_81 = arith.constant 0 : i32
    %dma_start3A_82 = tpu.memref_slice %arg10[%dma_start3A_80, %dma_start3A_81] : memref<64x128xf32, #tpu.memory_space<vmem>> -> memref<32x128xf32, #tpu.memory_space<vmem>>
    tpu.enqueue_dma source(%dma_start3A_82 : memref<32x128xf32, #tpu.memory_space<vmem>>) target(%dma_start3A_79 : memref<32x128xf32, #tpu.memory_space<hbm>>) target_semaphore(%arg14 : memref<!tpu.dma_semaphore, #tpu.memory_space<semaphore_mem>>)
    %dma_wait3A_83 = arith.constant 0 : i32
    %dma_wait3A_84 = arith.constant 0 : i32
    %dma_wait3A_85 = tpu.memref_slice %arg8[%dma_wait3A_83, %dma_wait3A_84] : memref<4x64xi32, #tpu.memory_space<vmem>> -> memref<1x64xi32, #tpu.memory_space<vmem>>
    %dma_wait3A_86 = tpu.memref_squeeze %dma_wait3A_85 : memref<1x64xi32, #tpu.memory_space<vmem>> -> memref<64xi32, #tpu.memory_space<vmem>>
    %dma_wait3A_87 = arith.constant 0 : i32
    %dma_wait3A_88 = arith.constant 0 : i32
    %dma_wait3A_89 = tpu.memref_slice %arg2[%dma_wait3A_87, %dma_wait3A_88] : memref<100000x128xf32, #tpu.memory_space<hbm>> -> memref<100000x128xf32, #tpu.memory_space<hbm>>
    tpu.wait_indirect_dma semaphore(%arg13 : memref<!tpu.dma_semaphore, #tpu.memory_space<semaphore_mem>>) src(%dma_wait3A_89 : memref<100000x128xf32, #tpu.memory_space<hbm>>) dst(%arg9 : memref<64x128xf32, #tpu.memory_space<vmem>>)
    %dma_start3A_90 = arith.constant 0 : i32
    %dma_start3A_91 = tpu.memref_slice %arg6[%mul3A_2, %dma_start3A_90] : memref<2048x128xf32, #tpu.memory_space<hbm>> -> memref<64x128xf32, #tpu.memory_space<hbm>>
    %dma_start3A_92 = arith.constant 0 : i32
    %dma_start3A_93 = tpu.memref_slice %arg6[%mul3A_2, %dma_start3A_92] : memref<2048x128xf32, #tpu.memory_space<hbm>> -> memref<64x128xf32, #tpu.memory_space<hbm>>
    tpu.enqueue_dma source(%arg9 : memref<64x128xf32, #tpu.memory_space<vmem>>) target(%dma_start3A_93 : memref<64x128xf32, #tpu.memory_space<hbm>>) target_semaphore(%arg14 : memref<!tpu.dma_semaphore, #tpu.memory_space<semaphore_mem>>)
    %dma_wait3A_94 = arith.constant 0 : i32
    %dma_wait3A_95 = arith.constant 0 : i32
    %dma_wait3A_96 = tpu.memref_slice %arg10[%dma_wait3A_94, %dma_wait3A_95] : memref<64x128xf32, #tpu.memory_space<vmem>> -> memref<32x128xf32, #tpu.memory_space<vmem>>
    %dma_wait3A_97 = arith.constant 0 : i32
    %dma_wait3A_98 = tpu.memref_slice %arg7[%mul3A_2, %dma_wait3A_97] : memref<2048x128xf32, #tpu.memory_space<hbm>> -> memref<32x128xf32, #tpu.memory_space<hbm>>
    %dma_wait3A_99 = arith.constant 0 : i32
    %dma_wait3A_100 = tpu.memref_slice %arg7[%mul3A_2, %dma_wait3A_99] : memref<2048x128xf32, #tpu.memory_space<hbm>> -> memref<32x128xf32, #tpu.memory_space<hbm>>
    %dma_wait3A_101 = arith.constant 0 : i32
    %dma_wait3A_102 = arith.constant 0 : i32
    %dma_wait3A_103 = tpu.memref_slice %arg10[%dma_wait3A_101, %dma_wait3A_102] : memref<64x128xf32, #tpu.memory_space<vmem>> -> memref<32x128xf32, #tpu.memory_space<vmem>>
    tpu.wait_dma2 semaphore(%arg14 : memref<!tpu.dma_semaphore, #tpu.memory_space<semaphore_mem>>) src(%dma_wait3A_103 : memref<32x128xf32, #tpu.memory_space<vmem>>) dst(%dma_wait3A_100 : memref<32x128xf32, #tpu.memory_space<hbm>>)
    %dma_wait3A_104 = arith.constant 32 : i32
    %dma_wait3A_105 = arith.constant 0 : i32
    %dma_wait3A_106 = tpu.memref_slice %arg10[%dma_wait3A_104, %dma_wait3A_105] : memref<64x128xf32, #tpu.memory_space<vmem>> -> memref<32x128xf32, #tpu.memory_space<vmem>>
    %dma_wait3A_107 = arith.constant 0 : i32
    %dma_wait3A_108 = tpu.memref_slice %arg7[%add3A_72, %dma_wait3A_107] : memref<2048x128xf32, #tpu.memory_space<hbm>> -> memref<32x128xf32, #tpu.memory_space<hbm>>
    %dma_wait3A_109 = arith.constant 0 : i32
    %dma_wait3A_110 = tpu.memref_slice %arg7[%add3A_72, %dma_wait3A_109] : memref<2048x128xf32, #tpu.memory_space<hbm>> -> memref<32x128xf32, #tpu.memory_space<hbm>>
    %dma_wait3A_111 = arith.constant 32 : i32
    %dma_wait3A_112 = arith.constant 0 : i32
    %dma_wait3A_113 = tpu.memref_slice %arg10[%dma_wait3A_111, %dma_wait3A_112] : memref<64x128xf32, #tpu.memory_space<vmem>> -> memref<32x128xf32, #tpu.memory_space<vmem>>
    tpu.wait_dma2 semaphore(%arg14 : memref<!tpu.dma_semaphore, #tpu.memory_space<semaphore_mem>>) src(%dma_wait3A_113 : memref<32x128xf32, #tpu.memory_space<vmem>>) dst(%dma_wait3A_110 : memref<32x128xf32, #tpu.memory_space<hbm>>)
    %dma_wait3A_114 = arith.constant 0 : i32
    %dma_wait3A_115 = tpu.memref_slice %arg6[%mul3A_2, %dma_wait3A_114] : memref<2048x128xf32, #tpu.memory_space<hbm>> -> memref<64x128xf32, #tpu.memory_space<hbm>>
    %dma_wait3A_116 = arith.constant 0 : i32
    %dma_wait3A_117 = tpu.memref_slice %arg6[%mul3A_2, %dma_wait3A_116] : memref<2048x128xf32, #tpu.memory_space<hbm>> -> memref<64x128xf32, #tpu.memory_space<hbm>>
    tpu.wait_dma2 semaphore(%arg14 : memref<!tpu.dma_semaphore, #tpu.memory_space<semaphore_mem>>) src(%arg9 : memref<64x128xf32, #tpu.memory_space<vmem>>) dst(%dma_wait3A_117 : memref<64x128xf32, #tpu.memory_space<hbm>>)
    return
  }
}

module attributes {stable_mosaic.version = 14 : i64} {
  func.func @_tc_body(%arg0: memref<4x512x128xf32, #tpu.memory_space<vmem>>, %arg1: memref<4x512x512xi32, #tpu.memory_space<vmem>>, %arg2: memref<4x512x128xf32, #tpu.memory_space<vmem>>, %arg3: memref<512x128xf32, #tpu.memory_space<vmem>>, %arg4: memref<512x1xbf16, #tpu.memory_space<vmem>>, %arg5: memref<128x128xf32, #tpu.memory_space<vmem>>, %arg6: memref<1x128xf32, #tpu.memory_space<vmem>>, %arg7: memref<128x128xf32, #tpu.memory_space<vmem>>, %arg8: memref<128x128xf32, #tpu.memory_space<vmem>>, %arg9: memref<1x128xf32, #tpu.memory_space<vmem>>, %arg10: memref<1x128xf32, #tpu.memory_space<vmem>>, %arg11: memref<1x128xf32, #tpu.memory_space<vmem>>, %arg12: memref<64x128xf32, #tpu.memory_space<vmem>>, %arg13: memref<1x64xf32, #tpu.memory_space<vmem>>, %arg14: memref<1x64xf32, #tpu.memory_space<vmem>>, %arg15: memref<1x1xf32, #tpu.memory_space<vmem>>, %arg16: memref<4x512x128xf32, #tpu.memory_space<vmem>>) attributes {dimension_semantics = [], scalar_prefetch = 0 : i64, scratch_operands = 0 : i64, tpu.core_type = #tpu.core_type<tc>} {
    %get3A = arith.constant 0 : index
    %get3A_0 = arith.constant 0 : index
    %get3A_1 = arith.constant 0 : index
    %get3A_2 = vector.load %arg0[%get3A, %get3A_0, %get3A_1] : memref<4x512x128xf32, #tpu.memory_space<vmem>>, vector<1x512x128xf32>
    %get3A_3 = vector.shape_cast %get3A_2 : vector<1x512x128xf32> to vector<512x128xf32>
    %get3A_4 = arith.constant 0 : index
    %get3A_5 = arith.constant 0 : index
    %get3A_6 = vector.load %arg3[%get3A_4, %get3A_5] : memref<512x128xf32, #tpu.memory_space<vmem>>, vector<512x128xf32>
    %add3A = arith.addf %get3A_3, %get3A_6 : vector<512x128xf32>
    %get3A_7 = arith.constant 0 : index
    %get3A_8 = arith.constant 0 : index
    %get3A_9 = arith.constant 0 : index
    %get3A_10 = vector.load %arg1[%get3A_7, %get3A_8, %get3A_9] : memref<4x512x512xi32, #tpu.memory_space<vmem>>, vector<1x512x512xi32>
    %get3A_11 = vector.shape_cast %get3A_10 : vector<1x512x512xi32> to vector<512x512xi32>
    %ne3A = arith.constant 0 : i32
    %ne3A_12 = vector.broadcast %ne3A : i32 to vector<512x512xi32>
    %ne3A_13 = arith.cmpi ne, %get3A_11, %ne3A_12 : vector<512x512xi32>
    %convert_element_type3A = arith.extui %ne3A_13 : vector<512x512xi1> to vector<512x512xi32>
    %convert_element_type3A_14 = arith.sitofp %convert_element_type3A : vector<512x512xi32> to vector<512x512xf32>
    %convert_element_type3A_15 = arith.truncf %convert_element_type3A_14 : vector<512x512xf32> to vector<512x512xbf16>
    %convert_element_type3A_16 = arith.truncf %add3A : vector<512x128xf32> to vector<512x128xbf16>
    %dot_general3A = arith.constant dense<0.000000e+00> : vector<512x128xf32>
    %dot_general3A_17 = tpu.matmul %convert_element_type3A_15, %convert_element_type3A_16, %dot_general3A {dimension_numbers = #tpu.dot_dimension_numbers<[0], [0], [1], [1], [0, 1, 1, 1], [], []>, transpose_lhs_hint = false} : vector<512x512xbf16>, vector<512x128xbf16>, vector<512x128xf32> -> vector<512x128xf32>
    %get3A_18 = arith.constant 0 : index
    %get3A_19 = arith.constant 0 : index
    %get3A_20 = vector.load %arg4[%get3A_18, %get3A_19] : memref<512x1xbf16, #tpu.memory_space<vmem>>, vector<512x1xbf16>
    %dot_general3A_21 = arith.constant dense<0.000000e+00> : vector<512x1xf32>
    %dot_general3A_22 = tpu.matmul %convert_element_type3A_15, %get3A_20, %dot_general3A_21 {dimension_numbers = #tpu.dot_dimension_numbers<[0], [0], [1], [1], [0, 1, 1, 1], [], []>, transpose_lhs_hint = false} : vector<512x512xbf16>, vector<512x1xbf16>, vector<512x1xf32> -> vector<512x1xf32>
    %max3A = arith.constant 1.000000e+00 : f32
    %max3A_23 = vector.broadcast %max3A : f32 to vector<512x1xf32>
    %max3A_24 = arith.maximumf %dot_general3A_22, %max3A_23 : vector<512x1xf32>
    %div3A = vector.broadcast %max3A_24 : vector<512x1xf32> to vector<512x128xf32>
    %div3A_25 = arith.divf %dot_general3A_17, %div3A : vector<512x128xf32>
    %get3A_26 = arith.constant 0 : index
    %get3A_27 = arith.constant 0 : index
    %get3A_28 = vector.load %arg5[%get3A_26, %get3A_27] : memref<128x128xf32, #tpu.memory_space<vmem>>, vector<128x128xf32>
    %dot_general3A_29 = arith.constant dense<0.000000e+00> : vector<512x128xf32>
    %dot_general3A_30 = tpu.matmul %div3A_25, %get3A_28, %dot_general3A_29 {dimension_numbers = #tpu.dot_dimension_numbers<[1], [1], [0], [0], [0, 0, 1, 0], [], []>, transpose_lhs_hint = false} : vector<512x128xf32>, vector<128x128xf32>, vector<512x128xf32> -> vector<512x128xf32>
    %get3A_31 = arith.constant 0 : index
    %get3A_32 = arith.constant 0 : index
    %get3A_33 = vector.load %arg6[%get3A_31, %get3A_32] : memref<1x128xf32, #tpu.memory_space<vmem>>, vector<1x128xf32>
    %add3A_34 = vector.broadcast %get3A_33 : vector<1x128xf32> to vector<512x128xf32>
    %add3A_35 = arith.addf %dot_general3A_30, %add3A_34 : vector<512x128xf32>
    %get3A_36 = arith.constant 0 : index
    %get3A_37 = arith.constant 0 : index
    %get3A_38 = vector.load %arg7[%get3A_36, %get3A_37] : memref<128x128xf32, #tpu.memory_space<vmem>>, vector<128x128xf32>
    %dot_general3A_39 = arith.constant dense<0.000000e+00> : vector<512x128xf32>
    %dot_general3A_40 = tpu.matmul %add3A, %get3A_38, %dot_general3A_39 {dimension_numbers = #tpu.dot_dimension_numbers<[1], [1], [0], [0], [0, 0, 1, 0], [], []>, transpose_lhs_hint = false} : vector<512x128xf32>, vector<128x128xf32>, vector<512x128xf32> -> vector<512x128xf32>
    %add3A_41 = arith.addf %add3A_35, %dot_general3A_40 : vector<512x128xf32>
    %get3A_42 = arith.constant 0 : index
    %get3A_43 = arith.constant 0 : index
    %get3A_44 = vector.load %arg8[%get3A_42, %get3A_43] : memref<128x128xf32, #tpu.memory_space<vmem>>, vector<128x128xf32>
    %dot_general3A_45 = arith.constant dense<0.000000e+00> : vector<512x128xf32>
    %dot_general3A_46 = tpu.matmul %add3A_41, %get3A_44, %dot_general3A_45 {dimension_numbers = #tpu.dot_dimension_numbers<[1], [1], [0], [0], [0, 0, 1, 0], [], []>, transpose_lhs_hint = false} : vector<512x128xf32>, vector<128x128xf32>, vector<512x128xf32> -> vector<512x128xf32>
    %get3A_47 = arith.constant 0 : index
    %get3A_48 = arith.constant 0 : index
    %get3A_49 = vector.load %arg9[%get3A_47, %get3A_48] : memref<1x128xf32, #tpu.memory_space<vmem>>, vector<1x128xf32>
    %add3A_50 = vector.broadcast %get3A_49 : vector<1x128xf32> to vector<512x128xf32>
    %add3A_51 = arith.addf %dot_general3A_46, %add3A_50 : vector<512x128xf32>
    %get3A_52 = arith.constant 0 : index
    %get3A_53 = arith.constant 0 : index
    %get3A_54 = vector.load %arg10[%get3A_52, %get3A_53] : memref<1x128xf32, #tpu.memory_space<vmem>>, vector<1x128xf32>
    %get3A_55 = arith.constant 0 : index
    %get3A_56 = arith.constant 0 : index
    %get3A_57 = vector.load %arg11[%get3A_55, %get3A_56] : memref<1x128xf32, #tpu.memory_space<vmem>>, vector<1x128xf32>
    %reduce_sum3A = arith.constant dense<0.000000e+00> : vector<512xf32>
    %reduce_sum3A_58 = vector.multi_reduction <add>, %add3A_51, %reduce_sum3A [1] : vector<512x128xf32> to vector<512xf32>
    %broadcast_in_dim3A = vector.shape_cast %reduce_sum3A_58 : vector<512xf32> to vector<512x1xf32>
    %div3A_59 = arith.constant 1.280000e+02 : f32
    %div3A_60 = vector.broadcast %div3A_59 : f32 to vector<512x1xf32>
    %div3A_61 = arith.divf %broadcast_in_dim3A, %div3A_60 : vector<512x1xf32>
    %sub3A = vector.broadcast %div3A_61 : vector<512x1xf32> to vector<512x128xf32>
    %sub3A_62 = arith.subf %add3A_51, %sub3A : vector<512x128xf32>
    %mul3A = arith.mulf %sub3A_62, %sub3A_62 : vector<512x128xf32>
    %reduce_sum3A_63 = arith.constant dense<0.000000e+00> : vector<512xf32>
    %reduce_sum3A_64 = vector.multi_reduction <add>, %mul3A, %reduce_sum3A_63 [1] : vector<512x128xf32> to vector<512xf32>
    %broadcast_in_dim3A_65 = vector.shape_cast %reduce_sum3A_64 : vector<512xf32> to vector<512x1xf32>
    %div3A_66 = arith.constant 1.280000e+02 : f32
    %div3A_67 = vector.broadcast %div3A_66 : f32 to vector<512x1xf32>
    %div3A_68 = arith.divf %broadcast_in_dim3A_65, %div3A_67 : vector<512x1xf32>
    %add3A_69 = arith.constant 9.99999974E-6 : f32
    %add3A_70 = vector.broadcast %add3A_69 : f32 to vector<512x1xf32>
    %add3A_71 = arith.addf %div3A_68, %add3A_70 : vector<512x1xf32>
    %rsqrt3A = math.rsqrt %add3A_71 : vector<512x1xf32>
    %mul3A_72 = vector.broadcast %rsqrt3A : vector<512x1xf32> to vector<512x128xf32>
    %mul3A_73 = arith.mulf %sub3A_62, %mul3A_72 : vector<512x128xf32>
    %mul3A_74 = vector.broadcast %get3A_54 : vector<1x128xf32> to vector<512x128xf32>
    %mul3A_75 = arith.mulf %mul3A_73, %mul3A_74 : vector<512x128xf32>
    %add3A_76 = vector.broadcast %get3A_57 : vector<1x128xf32> to vector<512x128xf32>
    %add3A_77 = arith.addf %mul3A_75, %add3A_76 : vector<512x128xf32>
    %get3A_78 = arith.constant 0 : index
    %get3A_79 = arith.constant 0 : index
    %get3A_80 = vector.load %arg12[%get3A_78, %get3A_79] : memref<64x128xf32, #tpu.memory_space<vmem>>, vector<64x128xf32>
    %dot_general3A_81 = arith.constant dense<0.000000e+00> : vector<512x64xf32>
    %dot_general3A_82 = tpu.matmul %add3A_77, %get3A_80, %dot_general3A_81 {dimension_numbers = #tpu.dot_dimension_numbers<[1], [1], [0], [0], [0, 0, 1, 0], [], []>, transpose_lhs_hint = false} : vector<512x128xf32>, vector<64x128xf32>, vector<512x64xf32> -> vector<512x64xf32>
    %get3A_83 = arith.constant 0 : index
    %get3A_84 = arith.constant 0 : index
    %get3A_85 = vector.load %arg13[%get3A_83, %get3A_84] : memref<1x64xf32, #tpu.memory_space<vmem>>, vector<1x64xf32>
    %add3A_86 = vector.broadcast %get3A_85 : vector<1x64xf32> to vector<512x64xf32>
    %add3A_87 = arith.addf %dot_general3A_82, %add3A_86 : vector<512x64xf32>
    %max3A_88 = arith.constant 0.000000e+00 : f32
    %max3A_89 = vector.broadcast %max3A_88 : f32 to vector<512x64xf32>
    %max3A_90 = arith.maximumf %add3A_87, %max3A_89 : vector<512x64xf32>
    %get3A_91 = arith.constant 0 : index
    %get3A_92 = arith.constant 0 : index
    %get3A_93 = vector.load %arg14[%get3A_91, %get3A_92] : memref<1x64xf32, #tpu.memory_space<vmem>>, vector<1x64xf32>
    %mul3A_94 = vector.broadcast %get3A_93 : vector<1x64xf32> to vector<512x64xf32>
    %mul3A_95 = arith.mulf %max3A_90, %mul3A_94 : vector<512x64xf32>
    %reduce_sum3A_96 = arith.constant dense<0.000000e+00> : vector<512xf32>
    %reduce_sum3A_97 = vector.multi_reduction <add>, %mul3A_95, %reduce_sum3A_96 [1] : vector<512x64xf32> to vector<512xf32>
    %broadcast_in_dim3A_98 = vector.shape_cast %reduce_sum3A_97 : vector<512xf32> to vector<512x1xf32>
    %get3A_99 = arith.constant 0 : index
    %get3A_100 = arith.constant 0 : index
    %get3A_101 = vector.load %arg15[%get3A_99, %get3A_100] : memref<1x1xf32, #tpu.memory_space<vmem>>, vector<1x1xf32>
    %add3A_102 = vector.broadcast %get3A_101 : vector<1x1xf32> to vector<512x1xf32>
    %add3A_103 = arith.addf %broadcast_in_dim3A_98, %add3A_102 : vector<512x1xf32>
    %neg3A = arith.constant 0.000000e+00 : f32
    %neg3A_104 = vector.broadcast %neg3A : f32 to vector<512x1xf32>
    %neg3A_105 = arith.subf %neg3A_104, %add3A_103 : vector<512x1xf32>
    %exp3A = math.exp %neg3A_105 : vector<512x1xf32>
    %add3A_106 = arith.constant 1.000000e+00 : f32
    %add3A_107 = vector.broadcast %add3A_106 : f32 to vector<512x1xf32>
    %add3A_108 = arith.addf %add3A_107, %exp3A : vector<512x1xf32>
    %div3A_109 = arith.constant 1.000000e+00 : f32
    %div3A_110 = vector.broadcast %div3A_109 : f32 to vector<512x1xf32>
    %div3A_111 = arith.divf %div3A_110, %add3A_108 : vector<512x1xf32>
    %mul3A_112 = vector.broadcast %div3A_111 : vector<512x1xf32> to vector<512x128xf32>
    %mul3A_113 = arith.mulf %add3A_77, %mul3A_112 : vector<512x128xf32>
    %get3A_114 = arith.constant 0 : index
    %get3A_115 = arith.constant 0 : index
    %get3A_116 = arith.constant 0 : index
    %get3A_117 = vector.load %arg2[%get3A_114, %get3A_115, %get3A_116] : memref<4x512x128xf32, #tpu.memory_space<vmem>>, vector<1x512x128xf32>
    %get3A_118 = vector.shape_cast %get3A_117 : vector<1x512x128xf32> to vector<512x128xf32>
    %add3A_119 = arith.addf %mul3A_113, %get3A_118 : vector<512x128xf32>
    %get3A_120 = arith.constant 0 : index
    %get3A_121 = arith.constant 0 : index
    %get3A_122 = vector.load %arg10[%get3A_120, %get3A_121] : memref<1x128xf32, #tpu.memory_space<vmem>>, vector<1x128xf32>
    %get3A_123 = arith.constant 0 : index
    %get3A_124 = arith.constant 0 : index
    %get3A_125 = vector.load %arg11[%get3A_123, %get3A_124] : memref<1x128xf32, #tpu.memory_space<vmem>>, vector<1x128xf32>
    %reduce_sum3A_126 = arith.constant dense<0.000000e+00> : vector<512xf32>
    %reduce_sum3A_127 = vector.multi_reduction <add>, %add3A_119, %reduce_sum3A_126 [1] : vector<512x128xf32> to vector<512xf32>
    %broadcast_in_dim3A_128 = vector.shape_cast %reduce_sum3A_127 : vector<512xf32> to vector<512x1xf32>
    %div3A_129 = arith.constant 1.280000e+02 : f32
    %div3A_130 = vector.broadcast %div3A_129 : f32 to vector<512x1xf32>
    %div3A_131 = arith.divf %broadcast_in_dim3A_128, %div3A_130 : vector<512x1xf32>
    %sub3A_132 = vector.broadcast %div3A_131 : vector<512x1xf32> to vector<512x128xf32>
    %sub3A_133 = arith.subf %add3A_119, %sub3A_132 : vector<512x128xf32>
    %mul3A_134 = arith.mulf %sub3A_133, %sub3A_133 : vector<512x128xf32>
    %reduce_sum3A_135 = arith.constant dense<0.000000e+00> : vector<512xf32>
    %reduce_sum3A_136 = vector.multi_reduction <add>, %mul3A_134, %reduce_sum3A_135 [1] : vector<512x128xf32> to vector<512xf32>
    %broadcast_in_dim3A_137 = vector.shape_cast %reduce_sum3A_136 : vector<512xf32> to vector<512x1xf32>
    %div3A_138 = arith.constant 1.280000e+02 : f32
    %div3A_139 = vector.broadcast %div3A_138 : f32 to vector<512x1xf32>
    %div3A_140 = arith.divf %broadcast_in_dim3A_137, %div3A_139 : vector<512x1xf32>
    %add3A_141 = arith.constant 9.99999974E-6 : f32
    %add3A_142 = vector.broadcast %add3A_141 : f32 to vector<512x1xf32>
    %add3A_143 = arith.addf %div3A_140, %add3A_142 : vector<512x1xf32>
    %rsqrt3A_144 = math.rsqrt %add3A_143 : vector<512x1xf32>
    %mul3A_145 = vector.broadcast %rsqrt3A_144 : vector<512x1xf32> to vector<512x128xf32>
    %mul3A_146 = arith.mulf %sub3A_133, %mul3A_145 : vector<512x128xf32>
    %mul3A_147 = vector.broadcast %get3A_122 : vector<1x128xf32> to vector<512x128xf32>
    %mul3A_148 = arith.mulf %mul3A_146, %mul3A_147 : vector<512x128xf32>
    %add3A_149 = vector.broadcast %get3A_125 : vector<1x128xf32> to vector<512x128xf32>
    %add3A_150 = arith.addf %mul3A_148, %add3A_149 : vector<512x128xf32>
    %swap3A = arith.constant 0 : index
    %swap3A_151 = arith.constant 0 : index
    %swap3A_152 = arith.constant 0 : index
    %swap3A_153 = vector.load %arg16[%swap3A, %swap3A_151, %swap3A_152] : memref<4x512x128xf32, #tpu.memory_space<vmem>>, vector<1x512x128xf32>
    %swap3A_154 = vector.shape_cast %swap3A_153 : vector<1x512x128xf32> to vector<512x128xf32>
    %swap3A_155 = vector.shape_cast %add3A_150 : vector<512x128xf32> to vector<1x512x128xf32>
    tpu.vector_store %arg16[%swap3A, %swap3A_151, %swap3A_152], %swap3A_155 {strides = array<i32>} : memref<4x512x128xf32, #tpu.memory_space<vmem>>, vector<1x512x128xf32>,
    %get3A_156 = arith.constant 1 : index
    %get3A_157 = arith.constant 0 : index
    %get3A_158 = arith.constant 0 : index
    %get3A_159 = vector.load %arg0[%get3A_156, %get3A_157, %get3A_158] : memref<4x512x128xf32, #tpu.memory_space<vmem>>, vector<1x512x128xf32>
    %get3A_160 = vector.shape_cast %get3A_159 : vector<1x512x128xf32> to vector<512x128xf32>
    %get3A_161 = arith.constant 0 : index
    %get3A_162 = arith.constant 0 : index
    %get3A_163 = vector.load %arg3[%get3A_161, %get3A_162] : memref<512x128xf32, #tpu.memory_space<vmem>>, vector<512x128xf32>
    %add3A_164 = arith.addf %get3A_160, %get3A_163 : vector<512x128xf32>
    %get3A_165 = arith.constant 1 : index
    %get3A_166 = arith.constant 0 : index
    %get3A_167 = arith.constant 0 : index
    %get3A_168 = vector.load %arg1[%get3A_165, %get3A_166, %get3A_167] : memref<4x512x512xi32, #tpu.memory_space<vmem>>, vector<1x512x512xi32>
    %get3A_169 = vector.shape_cast %get3A_168 : vector<1x512x512xi32> to vector<512x512xi32>
    %ne3A_170 = arith.constant 0 : i32
    %ne3A_171 = vector.broadcast %ne3A_170 : i32 to vector<512x512xi32>
    %ne3A_172 = arith.cmpi ne, %get3A_169, %ne3A_171 : vector<512x512xi32>
    %convert_element_type3A_173 = arith.extui %ne3A_172 : vector<512x512xi1> to vector<512x512xi32>
    %convert_element_type3A_174 = arith.sitofp %convert_element_type3A_173 : vector<512x512xi32> to vector<512x512xf32>
    %convert_element_type3A_175 = arith.truncf %convert_element_type3A_174 : vector<512x512xf32> to vector<512x512xbf16>
    %convert_element_type3A_176 = arith.truncf %add3A_164 : vector<512x128xf32> to vector<512x128xbf16>
    %dot_general3A_177 = arith.constant dense<0.000000e+00> : vector<512x128xf32>
    %dot_general3A_178 = tpu.matmul %convert_element_type3A_175, %convert_element_type3A_176, %dot_general3A_177 {dimension_numbers = #tpu.dot_dimension_numbers<[0], [0], [1], [1], [0, 1, 1, 1], [], []>, transpose_lhs_hint = false} : vector<512x512xbf16>, vector<512x128xbf16>, vector<512x128xf32> -> vector<512x128xf32>
    %get3A_179 = arith.constant 0 : index
    %get3A_180 = arith.constant 0 : index
    %get3A_181 = vector.load %arg4[%get3A_179, %get3A_180] : memref<512x1xbf16, #tpu.memory_space<vmem>>, vector<512x1xbf16>
    %dot_general3A_182 = arith.constant dense<0.000000e+00> : vector<512x1xf32>
    %dot_general3A_183 = tpu.matmul %convert_element_type3A_175, %get3A_181, %dot_general3A_182 {dimension_numbers = #tpu.dot_dimension_numbers<[0], [0], [1], [1], [0, 1, 1, 1], [], []>, transpose_lhs_hint = false} : vector<512x512xbf16>, vector<512x1xbf16>, vector<512x1xf32> -> vector<512x1xf32>
    %max3A_184 = arith.constant 1.000000e+00 : f32
    %max3A_185 = vector.broadcast %max3A_184 : f32 to vector<512x1xf32>
    %max3A_186 = arith.maximumf %dot_general3A_183, %max3A_185 : vector<512x1xf32>
    %div3A_187 = vector.broadcast %max3A_186 : vector<512x1xf32> to vector<512x128xf32>
    %div3A_188 = arith.divf %dot_general3A_178, %div3A_187 : vector<512x128xf32>
    %get3A_189 = arith.constant 0 : index
    %get3A_190 = arith.constant 0 : index
    %get3A_191 = vector.load %arg5[%get3A_189, %get3A_190] : memref<128x128xf32, #tpu.memory_space<vmem>>, vector<128x128xf32>
    %dot_general3A_192 = arith.constant dense<0.000000e+00> : vector<512x128xf32>
    %dot_general3A_193 = tpu.matmul %div3A_188, %get3A_191, %dot_general3A_192 {dimension_numbers = #tpu.dot_dimension_numbers<[1], [1], [0], [0], [0, 0, 1, 0], [], []>, transpose_lhs_hint = false} : vector<512x128xf32>, vector<128x128xf32>, vector<512x128xf32> -> vector<512x128xf32>
    %get3A_194 = arith.constant 0 : index
    %get3A_195 = arith.constant 0 : index
    %get3A_196 = vector.load %arg6[%get3A_194, %get3A_195] : memref<1x128xf32, #tpu.memory_space<vmem>>, vector<1x128xf32>
    %add3A_197 = vector.broadcast %get3A_196 : vector<1x128xf32> to vector<512x128xf32>
    %add3A_198 = arith.addf %dot_general3A_193, %add3A_197 : vector<512x128xf32>
    %get3A_199 = arith.constant 0 : index
    %get3A_200 = arith.constant 0 : index
    %get3A_201 = vector.load %arg7[%get3A_199, %get3A_200] : memref<128x128xf32, #tpu.memory_space<vmem>>, vector<128x128xf32>
    %dot_general3A_202 = arith.constant dense<0.000000e+00> : vector<512x128xf32>
    %dot_general3A_203 = tpu.matmul %add3A_164, %get3A_201, %dot_general3A_202 {dimension_numbers = #tpu.dot_dimension_numbers<[1], [1], [0], [0], [0, 0, 1, 0], [], []>, transpose_lhs_hint = false} : vector<512x128xf32>, vector<128x128xf32>, vector<512x128xf32> -> vector<512x128xf32>
    %add3A_204 = arith.addf %add3A_198, %dot_general3A_203 : vector<512x128xf32>
    %get3A_205 = arith.constant 0 : index
    %get3A_206 = arith.constant 0 : index
    %get3A_207 = vector.load %arg8[%get3A_205, %get3A_206] : memref<128x128xf32, #tpu.memory_space<vmem>>, vector<128x128xf32>
    %dot_general3A_208 = arith.constant dense<0.000000e+00> : vector<512x128xf32>
    %dot_general3A_209 = tpu.matmul %add3A_204, %get3A_207, %dot_general3A_208 {dimension_numbers = #tpu.dot_dimension_numbers<[1], [1], [0], [0], [0, 0, 1, 0], [], []>, transpose_lhs_hint = false} : vector<512x128xf32>, vector<128x128xf32>, vector<512x128xf32> -> vector<512x128xf32>
    %get3A_210 = arith.constant 0 : index
    %get3A_211 = arith.constant 0 : index
    %get3A_212 = vector.load %arg9[%get3A_210, %get3A_211] : memref<1x128xf32, #tpu.memory_space<vmem>>, vector<1x128xf32>
    %add3A_213 = vector.broadcast %get3A_212 : vector<1x128xf32> to vector<512x128xf32>
    %add3A_214 = arith.addf %dot_general3A_209, %add3A_213 : vector<512x128xf32>
    %get3A_215 = arith.constant 0 : index
    %get3A_216 = arith.constant 0 : index
    %get3A_217 = vector.load %arg10[%get3A_215, %get3A_216] : memref<1x128xf32, #tpu.memory_space<vmem>>, vector<1x128xf32>
    %get3A_218 = arith.constant 0 : index
    %get3A_219 = arith.constant 0 : index
    %get3A_220 = vector.load %arg11[%get3A_218, %get3A_219] : memref<1x128xf32, #tpu.memory_space<vmem>>, vector<1x128xf32>
    %reduce_sum3A_221 = arith.constant dense<0.000000e+00> : vector<512xf32>
    %reduce_sum3A_222 = vector.multi_reduction <add>, %add3A_214, %reduce_sum3A_221 [1] : vector<512x128xf32> to vector<512xf32>
    %broadcast_in_dim3A_223 = vector.shape_cast %reduce_sum3A_222 : vector<512xf32> to vector<512x1xf32>
    %div3A_224 = arith.constant 1.280000e+02 : f32
    %div3A_225 = vector.broadcast %div3A_224 : f32 to vector<512x1xf32>
    %div3A_226 = arith.divf %broadcast_in_dim3A_223, %div3A_225 : vector<512x1xf32>
    %sub3A_227 = vector.broadcast %div3A_226 : vector<512x1xf32> to vector<512x128xf32>
    %sub3A_228 = arith.subf %add3A_214, %sub3A_227 : vector<512x128xf32>
    %mul3A_229 = arith.mulf %sub3A_228, %sub3A_228 : vector<512x128xf32>
    %reduce_sum3A_230 = arith.constant dense<0.000000e+00> : vector<512xf32>
    %reduce_sum3A_231 = vector.multi_reduction <add>, %mul3A_229, %reduce_sum3A_230 [1] : vector<512x128xf32> to vector<512xf32>
    %broadcast_in_dim3A_232 = vector.shape_cast %reduce_sum3A_231 : vector<512xf32> to vector<512x1xf32>
    %div3A_233 = arith.constant 1.280000e+02 : f32
    %div3A_234 = vector.broadcast %div3A_233 : f32 to vector<512x1xf32>
    %div3A_235 = arith.divf %broadcast_in_dim3A_232, %div3A_234 : vector<512x1xf32>
    %add3A_236 = arith.constant 9.99999974E-6 : f32
    %add3A_237 = vector.broadcast %add3A_236 : f32 to vector<512x1xf32>
    %add3A_238 = arith.addf %div3A_235, %add3A_237 : vector<512x1xf32>
    %rsqrt3A_239 = math.rsqrt %add3A_238 : vector<512x1xf32>
    %mul3A_240 = vector.broadcast %rsqrt3A_239 : vector<512x1xf32> to vector<512x128xf32>
    %mul3A_241 = arith.mulf %sub3A_228, %mul3A_240 : vector<512x128xf32>
    %mul3A_242 = vector.broadcast %get3A_217 : vector<1x128xf32> to vector<512x128xf32>
    %mul3A_243 = arith.mulf %mul3A_241, %mul3A_242 : vector<512x128xf32>
    %add3A_244 = vector.broadcast %get3A_220 : vector<1x128xf32> to vector<512x128xf32>
    %add3A_245 = arith.addf %mul3A_243, %add3A_244 : vector<512x128xf32>
    %get3A_246 = arith.constant 0 : index
    %get3A_247 = arith.constant 0 : index
    %get3A_248 = vector.load %arg12[%get3A_246, %get3A_247] : memref<64x128xf32, #tpu.memory_space<vmem>>, vector<64x128xf32>
    %dot_general3A_249 = arith.constant dense<0.000000e+00> : vector<512x64xf32>
    %dot_general3A_250 = tpu.matmul %add3A_245, %get3A_248, %dot_general3A_249 {dimension_numbers = #tpu.dot_dimension_numbers<[1], [1], [0], [0], [0, 0, 1, 0], [], []>, transpose_lhs_hint = false} : vector<512x128xf32>, vector<64x128xf32>, vector<512x64xf32> -> vector<512x64xf32>
    %get3A_251 = arith.constant 0 : index
    %get3A_252 = arith.constant 0 : index
    %get3A_253 = vector.load %arg13[%get3A_251, %get3A_252] : memref<1x64xf32, #tpu.memory_space<vmem>>, vector<1x64xf32>
    %add3A_254 = vector.broadcast %get3A_253 : vector<1x64xf32> to vector<512x64xf32>
    %add3A_255 = arith.addf %dot_general3A_250, %add3A_254 : vector<512x64xf32>
    %max3A_256 = arith.constant 0.000000e+00 : f32
    %max3A_257 = vector.broadcast %max3A_256 : f32 to vector<512x64xf32>
    %max3A_258 = arith.maximumf %add3A_255, %max3A_257 : vector<512x64xf32>
    %get3A_259 = arith.constant 0 : index
    %get3A_260 = arith.constant 0 : index
    %get3A_261 = vector.load %arg14[%get3A_259, %get3A_260] : memref<1x64xf32, #tpu.memory_space<vmem>>, vector<1x64xf32>
    %mul3A_262 = vector.broadcast %get3A_261 : vector<1x64xf32> to vector<512x64xf32>
    %mul3A_263 = arith.mulf %max3A_258, %mul3A_262 : vector<512x64xf32>
    %reduce_sum3A_264 = arith.constant dense<0.000000e+00> : vector<512xf32>
    %reduce_sum3A_265 = vector.multi_reduction <add>, %mul3A_263, %reduce_sum3A_264 [1] : vector<512x64xf32> to vector<512xf32>
    %broadcast_in_dim3A_266 = vector.shape_cast %reduce_sum3A_265 : vector<512xf32> to vector<512x1xf32>
    %get3A_267 = arith.constant 0 : index
    %get3A_268 = arith.constant 0 : index
    %get3A_269 = vector.load %arg15[%get3A_267, %get3A_268] : memref<1x1xf32, #tpu.memory_space<vmem>>, vector<1x1xf32>
    %add3A_270 = vector.broadcast %get3A_269 : vector<1x1xf32> to vector<512x1xf32>
    %add3A_271 = arith.addf %broadcast_in_dim3A_266, %add3A_270 : vector<512x1xf32>
    %neg3A_272 = arith.constant 0.000000e+00 : f32
    %neg3A_273 = vector.broadcast %neg3A_272 : f32 to vector<512x1xf32>
    %neg3A_274 = arith.subf %neg3A_273, %add3A_271 : vector<512x1xf32>
    %exp3A_275 = math.exp %neg3A_274 : vector<512x1xf32>
    %add3A_276 = arith.constant 1.000000e+00 : f32
    %add3A_277 = vector.broadcast %add3A_276 : f32 to vector<512x1xf32>
    %add3A_278 = arith.addf %add3A_277, %exp3A_275 : vector<512x1xf32>
    %div3A_279 = arith.constant 1.000000e+00 : f32
    %div3A_280 = vector.broadcast %div3A_279 : f32 to vector<512x1xf32>
    %div3A_281 = arith.divf %div3A_280, %add3A_278 : vector<512x1xf32>
    %mul3A_282 = vector.broadcast %div3A_281 : vector<512x1xf32> to vector<512x128xf32>
    %mul3A_283 = arith.mulf %add3A_245, %mul3A_282 : vector<512x128xf32>
    %get3A_284 = arith.constant 1 : index
    %get3A_285 = arith.constant 0 : index
    %get3A_286 = arith.constant 0 : index
    %get3A_287 = vector.load %arg2[%get3A_284, %get3A_285, %get3A_286] : memref<4x512x128xf32, #tpu.memory_space<vmem>>, vector<1x512x128xf32>
    %get3A_288 = vector.shape_cast %get3A_287 : vector<1x512x128xf32> to vector<512x128xf32>
    %add3A_289 = arith.addf %mul3A_283, %get3A_288 : vector<512x128xf32>
    %get3A_290 = arith.constant 0 : index
    %get3A_291 = arith.constant 0 : index
    %get3A_292 = vector.load %arg10[%get3A_290, %get3A_291] : memref<1x128xf32, #tpu.memory_space<vmem>>, vector<1x128xf32>
    %get3A_293 = arith.constant 0 : index
    %get3A_294 = arith.constant 0 : index
    %get3A_295 = vector.load %arg11[%get3A_293, %get3A_294] : memref<1x128xf32, #tpu.memory_space<vmem>>, vector<1x128xf32>
    %reduce_sum3A_296 = arith.constant dense<0.000000e+00> : vector<512xf32>
    %reduce_sum3A_297 = vector.multi_reduction <add>, %add3A_289, %reduce_sum3A_296 [1] : vector<512x128xf32> to vector<512xf32>
    %broadcast_in_dim3A_298 = vector.shape_cast %reduce_sum3A_297 : vector<512xf32> to vector<512x1xf32>
    %div3A_299 = arith.constant 1.280000e+02 : f32
    %div3A_300 = vector.broadcast %div3A_299 : f32 to vector<512x1xf32>
    %div3A_301 = arith.divf %broadcast_in_dim3A_298, %div3A_300 : vector<512x1xf32>
    %sub3A_302 = vector.broadcast %div3A_301 : vector<512x1xf32> to vector<512x128xf32>
    %sub3A_303 = arith.subf %add3A_289, %sub3A_302 : vector<512x128xf32>
    %mul3A_304 = arith.mulf %sub3A_303, %sub3A_303 : vector<512x128xf32>
    %reduce_sum3A_305 = arith.constant dense<0.000000e+00> : vector<512xf32>
    %reduce_sum3A_306 = vector.multi_reduction <add>, %mul3A_304, %reduce_sum3A_305 [1] : vector<512x128xf32> to vector<512xf32>
    %broadcast_in_dim3A_307 = vector.shape_cast %reduce_sum3A_306 : vector<512xf32> to vector<512x1xf32>
    %div3A_308 = arith.constant 1.280000e+02 : f32
    %div3A_309 = vector.broadcast %div3A_308 : f32 to vector<512x1xf32>
    %div3A_310 = arith.divf %broadcast_in_dim3A_307, %div3A_309 : vector<512x1xf32>
    %add3A_311 = arith.constant 9.99999974E-6 : f32
    %add3A_312 = vector.broadcast %add3A_311 : f32 to vector<512x1xf32>
    %add3A_313 = arith.addf %div3A_310, %add3A_312 : vector<512x1xf32>
    %rsqrt3A_314 = math.rsqrt %add3A_313 : vector<512x1xf32>
    %mul3A_315 = vector.broadcast %rsqrt3A_314 : vector<512x1xf32> to vector<512x128xf32>
    %mul3A_316 = arith.mulf %sub3A_303, %mul3A_315 : vector<512x128xf32>
    %mul3A_317 = vector.broadcast %get3A_292 : vector<1x128xf32> to vector<512x128xf32>
    %mul3A_318 = arith.mulf %mul3A_316, %mul3A_317 : vector<512x128xf32>
    %add3A_319 = vector.broadcast %get3A_295 : vector<1x128xf32> to vector<512x128xf32>
    %add3A_320 = arith.addf %mul3A_318, %add3A_319 : vector<512x128xf32>
    %swap3A_321 = arith.constant 1 : index
    %swap3A_322 = arith.constant 0 : index
    %swap3A_323 = arith.constant 0 : index
    %swap3A_324 = vector.load %arg16[%swap3A_321, %swap3A_322, %swap3A_323] : memref<4x512x128xf32, #tpu.memory_space<vmem>>, vector<1x512x128xf32>
    %swap3A_325 = vector.shape_cast %swap3A_324 : vector<1x512x128xf32> to vector<512x128xf32>
    %swap3A_326 = vector.shape_cast %add3A_320 : vector<512x128xf32> to vector<1x512x128xf32>
    tpu.vector_store %arg16[%swap3A_321, %swap3A_322, %swap3A_323], %swap3A_326 {strides = array<i32>} : memref<4x512x128xf32, #tpu.memory_space<vmem>>, vector<1x512x128xf32>,
    %get3A_327 = arith.constant 2 : index
    %get3A_328 = arith.constant 0 : index
    %get3A_329 = arith.constant 0 : index
    %get3A_330 = vector.load %arg0[%get3A_327, %get3A_328, %get3A_329] : memref<4x512x128xf32, #tpu.memory_space<vmem>>, vector<1x512x128xf32>
    %get3A_331 = vector.shape_cast %get3A_330 : vector<1x512x128xf32> to vector<512x128xf32>
    %get3A_332 = arith.constant 0 : index
    %get3A_333 = arith.constant 0 : index
    %get3A_334 = vector.load %arg3[%get3A_332, %get3A_333] : memref<512x128xf32, #tpu.memory_space<vmem>>, vector<512x128xf32>
    %add3A_335 = arith.addf %get3A_331, %get3A_334 : vector<512x128xf32>
    %get3A_336 = arith.constant 2 : index
    %get3A_337 = arith.constant 0 : index
    %get3A_338 = arith.constant 0 : index
    %get3A_339 = vector.load %arg1[%get3A_336, %get3A_337, %get3A_338] : memref<4x512x512xi32, #tpu.memory_space<vmem>>, vector<1x512x512xi32>
    %get3A_340 = vector.shape_cast %get3A_339 : vector<1x512x512xi32> to vector<512x512xi32>
    %ne3A_341 = arith.constant 0 : i32
    %ne3A_342 = vector.broadcast %ne3A_341 : i32 to vector<512x512xi32>
    %ne3A_343 = arith.cmpi ne, %get3A_340, %ne3A_342 : vector<512x512xi32>
    %convert_element_type3A_344 = arith.extui %ne3A_343 : vector<512x512xi1> to vector<512x512xi32>
    %convert_element_type3A_345 = arith.sitofp %convert_element_type3A_344 : vector<512x512xi32> to vector<512x512xf32>
    %convert_element_type3A_346 = arith.truncf %convert_element_type3A_345 : vector<512x512xf32> to vector<512x512xbf16>
    %convert_element_type3A_347 = arith.truncf %add3A_335 : vector<512x128xf32> to vector<512x128xbf16>
    %dot_general3A_348 = arith.constant dense<0.000000e+00> : vector<512x128xf32>
    %dot_general3A_349 = tpu.matmul %convert_element_type3A_346, %convert_element_type3A_347, %dot_general3A_348 {dimension_numbers = #tpu.dot_dimension_numbers<[0], [0], [1], [1], [0, 1, 1, 1], [], []>, transpose_lhs_hint = false} : vector<512x512xbf16>, vector<512x128xbf16>, vector<512x128xf32> -> vector<512x128xf32>
    %get3A_350 = arith.constant 0 : index
    %get3A_351 = arith.constant 0 : index
    %get3A_352 = vector.load %arg4[%get3A_350, %get3A_351] : memref<512x1xbf16, #tpu.memory_space<vmem>>, vector<512x1xbf16>
    %dot_general3A_353 = arith.constant dense<0.000000e+00> : vector<512x1xf32>
    %dot_general3A_354 = tpu.matmul %convert_element_type3A_346, %get3A_352, %dot_general3A_353 {dimension_numbers = #tpu.dot_dimension_numbers<[0], [0], [1], [1], [0, 1, 1, 1], [], []>, transpose_lhs_hint = false} : vector<512x512xbf16>, vector<512x1xbf16>, vector<512x1xf32> -> vector<512x1xf32>
    %max3A_355 = arith.constant 1.000000e+00 : f32
    %max3A_356 = vector.broadcast %max3A_355 : f32 to vector<512x1xf32>
    %max3A_357 = arith.maximumf %dot_general3A_354, %max3A_356 : vector<512x1xf32>
    %div3A_358 = vector.broadcast %max3A_357 : vector<512x1xf32> to vector<512x128xf32>
    %div3A_359 = arith.divf %dot_general3A_349, %div3A_358 : vector<512x128xf32>
    %get3A_360 = arith.constant 0 : index
    %get3A_361 = arith.constant 0 : index
    %get3A_362 = vector.load %arg5[%get3A_360, %get3A_361] : memref<128x128xf32, #tpu.memory_space<vmem>>, vector<128x128xf32>
    %dot_general3A_363 = arith.constant dense<0.000000e+00> : vector<512x128xf32>
    %dot_general3A_364 = tpu.matmul %div3A_359, %get3A_362, %dot_general3A_363 {dimension_numbers = #tpu.dot_dimension_numbers<[1], [1], [0], [0], [0, 0, 1, 0], [], []>, transpose_lhs_hint = false} : vector<512x128xf32>, vector<128x128xf32>, vector<512x128xf32> -> vector<512x128xf32>
    %get3A_365 = arith.constant 0 : index
    %get3A_366 = arith.constant 0 : index
    %get3A_367 = vector.load %arg6[%get3A_365, %get3A_366] : memref<1x128xf32, #tpu.memory_space<vmem>>, vector<1x128xf32>
    %add3A_368 = vector.broadcast %get3A_367 : vector<1x128xf32> to vector<512x128xf32>
    %add3A_369 = arith.addf %dot_general3A_364, %add3A_368 : vector<512x128xf32>
    %get3A_370 = arith.constant 0 : index
    %get3A_371 = arith.constant 0 : index
    %get3A_372 = vector.load %arg7[%get3A_370, %get3A_371] : memref<128x128xf32, #tpu.memory_space<vmem>>, vector<128x128xf32>
    %dot_general3A_373 = arith.constant dense<0.000000e+00> : vector<512x128xf32>
    %dot_general3A_374 = tpu.matmul %add3A_335, %get3A_372, %dot_general3A_373 {dimension_numbers = #tpu.dot_dimension_numbers<[1], [1], [0], [0], [0, 0, 1, 0], [], []>, transpose_lhs_hint = false} : vector<512x128xf32>, vector<128x128xf32>, vector<512x128xf32> -> vector<512x128xf32>
    %add3A_375 = arith.addf %add3A_369, %dot_general3A_374 : vector<512x128xf32>
    %get3A_376 = arith.constant 0 : index
    %get3A_377 = arith.constant 0 : index
    %get3A_378 = vector.load %arg8[%get3A_376, %get3A_377] : memref<128x128xf32, #tpu.memory_space<vmem>>, vector<128x128xf32>
    %dot_general3A_379 = arith.constant dense<0.000000e+00> : vector<512x128xf32>
    %dot_general3A_380 = tpu.matmul %add3A_375, %get3A_378, %dot_general3A_379 {dimension_numbers = #tpu.dot_dimension_numbers<[1], [1], [0], [0], [0, 0, 1, 0], [], []>, transpose_lhs_hint = false} : vector<512x128xf32>, vector<128x128xf32>, vector<512x128xf32> -> vector<512x128xf32>
    %get3A_381 = arith.constant 0 : index
    %get3A_382 = arith.constant 0 : index
    %get3A_383 = vector.load %arg9[%get3A_381, %get3A_382] : memref<1x128xf32, #tpu.memory_space<vmem>>, vector<1x128xf32>
    %add3A_384 = vector.broadcast %get3A_383 : vector<1x128xf32> to vector<512x128xf32>
    %add3A_385 = arith.addf %dot_general3A_380, %add3A_384 : vector<512x128xf32>
    %get3A_386 = arith.constant 0 : index
    %get3A_387 = arith.constant 0 : index
    %get3A_388 = vector.load %arg10[%get3A_386, %get3A_387] : memref<1x128xf32, #tpu.memory_space<vmem>>, vector<1x128xf32>
    %get3A_389 = arith.constant 0 : index
    %get3A_390 = arith.constant 0 : index
    %get3A_391 = vector.load %arg11[%get3A_389, %get3A_390] : memref<1x128xf32, #tpu.memory_space<vmem>>, vector<1x128xf32>
    %reduce_sum3A_392 = arith.constant dense<0.000000e+00> : vector<512xf32>
    %reduce_sum3A_393 = vector.multi_reduction <add>, %add3A_385, %reduce_sum3A_392 [1] : vector<512x128xf32> to vector<512xf32>
    %broadcast_in_dim3A_394 = vector.shape_cast %reduce_sum3A_393 : vector<512xf32> to vector<512x1xf32>
    %div3A_395 = arith.constant 1.280000e+02 : f32
    %div3A_396 = vector.broadcast %div3A_395 : f32 to vector<512x1xf32>
    %div3A_397 = arith.divf %broadcast_in_dim3A_394, %div3A_396 : vector<512x1xf32>
    %sub3A_398 = vector.broadcast %div3A_397 : vector<512x1xf32> to vector<512x128xf32>
    %sub3A_399 = arith.subf %add3A_385, %sub3A_398 : vector<512x128xf32>
    %mul3A_400 = arith.mulf %sub3A_399, %sub3A_399 : vector<512x128xf32>
    %reduce_sum3A_401 = arith.constant dense<0.000000e+00> : vector<512xf32>
    %reduce_sum3A_402 = vector.multi_reduction <add>, %mul3A_400, %reduce_sum3A_401 [1] : vector<512x128xf32> to vector<512xf32>
    %broadcast_in_dim3A_403 = vector.shape_cast %reduce_sum3A_402 : vector<512xf32> to vector<512x1xf32>
    %div3A_404 = arith.constant 1.280000e+02 : f32
    %div3A_405 = vector.broadcast %div3A_404 : f32 to vector<512x1xf32>
    %div3A_406 = arith.divf %broadcast_in_dim3A_403, %div3A_405 : vector<512x1xf32>
    %add3A_407 = arith.constant 9.99999974E-6 : f32
    %add3A_408 = vector.broadcast %add3A_407 : f32 to vector<512x1xf32>
    %add3A_409 = arith.addf %div3A_406, %add3A_408 : vector<512x1xf32>
    %rsqrt3A_410 = math.rsqrt %add3A_409 : vector<512x1xf32>
    %mul3A_411 = vector.broadcast %rsqrt3A_410 : vector<512x1xf32> to vector<512x128xf32>
    %mul3A_412 = arith.mulf %sub3A_399, %mul3A_411 : vector<512x128xf32>
    %mul3A_413 = vector.broadcast %get3A_388 : vector<1x128xf32> to vector<512x128xf32>
    %mul3A_414 = arith.mulf %mul3A_412, %mul3A_413 : vector<512x128xf32>
    %add3A_415 = vector.broadcast %get3A_391 : vector<1x128xf32> to vector<512x128xf32>
    %add3A_416 = arith.addf %mul3A_414, %add3A_415 : vector<512x128xf32>
    %get3A_417 = arith.constant 0 : index
    %get3A_418 = arith.constant 0 : index
    %get3A_419 = vector.load %arg12[%get3A_417, %get3A_418] : memref<64x128xf32, #tpu.memory_space<vmem>>, vector<64x128xf32>
    %dot_general3A_420 = arith.constant dense<0.000000e+00> : vector<512x64xf32>
    %dot_general3A_421 = tpu.matmul %add3A_416, %get3A_419, %dot_general3A_420 {dimension_numbers = #tpu.dot_dimension_numbers<[1], [1], [0], [0], [0, 0, 1, 0], [], []>, transpose_lhs_hint = false} : vector<512x128xf32>, vector<64x128xf32>, vector<512x64xf32> -> vector<512x64xf32>
    %get3A_422 = arith.constant 0 : index
    %get3A_423 = arith.constant 0 : index
    %get3A_424 = vector.load %arg13[%get3A_422, %get3A_423] : memref<1x64xf32, #tpu.memory_space<vmem>>, vector<1x64xf32>
    %add3A_425 = vector.broadcast %get3A_424 : vector<1x64xf32> to vector<512x64xf32>
    %add3A_426 = arith.addf %dot_general3A_421, %add3A_425 : vector<512x64xf32>
    %max3A_427 = arith.constant 0.000000e+00 : f32
    %max3A_428 = vector.broadcast %max3A_427 : f32 to vector<512x64xf32>
    %max3A_429 = arith.maximumf %add3A_426, %max3A_428 : vector<512x64xf32>
    %get3A_430 = arith.constant 0 : index
    %get3A_431 = arith.constant 0 : index
    %get3A_432 = vector.load %arg14[%get3A_430, %get3A_431] : memref<1x64xf32, #tpu.memory_space<vmem>>, vector<1x64xf32>
    %mul3A_433 = vector.broadcast %get3A_432 : vector<1x64xf32> to vector<512x64xf32>
    %mul3A_434 = arith.mulf %max3A_429, %mul3A_433 : vector<512x64xf32>
    %reduce_sum3A_435 = arith.constant dense<0.000000e+00> : vector<512xf32>
    %reduce_sum3A_436 = vector.multi_reduction <add>, %mul3A_434, %reduce_sum3A_435 [1] : vector<512x64xf32> to vector<512xf32>
    %broadcast_in_dim3A_437 = vector.shape_cast %reduce_sum3A_436 : vector<512xf32> to vector<512x1xf32>
    %get3A_438 = arith.constant 0 : index
    %get3A_439 = arith.constant 0 : index
    %get3A_440 = vector.load %arg15[%get3A_438, %get3A_439] : memref<1x1xf32, #tpu.memory_space<vmem>>, vector<1x1xf32>
    %add3A_441 = vector.broadcast %get3A_440 : vector<1x1xf32> to vector<512x1xf32>
    %add3A_442 = arith.addf %broadcast_in_dim3A_437, %add3A_441 : vector<512x1xf32>
    %neg3A_443 = arith.constant 0.000000e+00 : f32
    %neg3A_444 = vector.broadcast %neg3A_443 : f32 to vector<512x1xf32>
    %neg3A_445 = arith.subf %neg3A_444, %add3A_442 : vector<512x1xf32>
    %exp3A_446 = math.exp %neg3A_445 : vector<512x1xf32>
    %add3A_447 = arith.constant 1.000000e+00 : f32
    %add3A_448 = vector.broadcast %add3A_447 : f32 to vector<512x1xf32>
    %add3A_449 = arith.addf %add3A_448, %exp3A_446 : vector<512x1xf32>
    %div3A_450 = arith.constant 1.000000e+00 : f32
    %div3A_451 = vector.broadcast %div3A_450 : f32 to vector<512x1xf32>
    %div3A_452 = arith.divf %div3A_451, %add3A_449 : vector<512x1xf32>
    %mul3A_453 = vector.broadcast %div3A_452 : vector<512x1xf32> to vector<512x128xf32>
    %mul3A_454 = arith.mulf %add3A_416, %mul3A_453 : vector<512x128xf32>
    %get3A_455 = arith.constant 2 : index
    %get3A_456 = arith.constant 0 : index
    %get3A_457 = arith.constant 0 : index
    %get3A_458 = vector.load %arg2[%get3A_455, %get3A_456, %get3A_457] : memref<4x512x128xf32, #tpu.memory_space<vmem>>, vector<1x512x128xf32>
    %get3A_459 = vector.shape_cast %get3A_458 : vector<1x512x128xf32> to vector<512x128xf32>
    %add3A_460 = arith.addf %mul3A_454, %get3A_459 : vector<512x128xf32>
    %get3A_461 = arith.constant 0 : index
    %get3A_462 = arith.constant 0 : index
    %get3A_463 = vector.load %arg10[%get3A_461, %get3A_462] : memref<1x128xf32, #tpu.memory_space<vmem>>, vector<1x128xf32>
    %get3A_464 = arith.constant 0 : index
    %get3A_465 = arith.constant 0 : index
    %get3A_466 = vector.load %arg11[%get3A_464, %get3A_465] : memref<1x128xf32, #tpu.memory_space<vmem>>, vector<1x128xf32>
    %reduce_sum3A_467 = arith.constant dense<0.000000e+00> : vector<512xf32>
    %reduce_sum3A_468 = vector.multi_reduction <add>, %add3A_460, %reduce_sum3A_467 [1] : vector<512x128xf32> to vector<512xf32>
    %broadcast_in_dim3A_469 = vector.shape_cast %reduce_sum3A_468 : vector<512xf32> to vector<512x1xf32>
    %div3A_470 = arith.constant 1.280000e+02 : f32
    %div3A_471 = vector.broadcast %div3A_470 : f32 to vector<512x1xf32>
    %div3A_472 = arith.divf %broadcast_in_dim3A_469, %div3A_471 : vector<512x1xf32>
    %sub3A_473 = vector.broadcast %div3A_472 : vector<512x1xf32> to vector<512x128xf32>
    %sub3A_474 = arith.subf %add3A_460, %sub3A_473 : vector<512x128xf32>
    %mul3A_475 = arith.mulf %sub3A_474, %sub3A_474 : vector<512x128xf32>
    %reduce_sum3A_476 = arith.constant dense<0.000000e+00> : vector<512xf32>
    %reduce_sum3A_477 = vector.multi_reduction <add>, %mul3A_475, %reduce_sum3A_476 [1] : vector<512x128xf32> to vector<512xf32>
    %broadcast_in_dim3A_478 = vector.shape_cast %reduce_sum3A_477 : vector<512xf32> to vector<512x1xf32>
    %div3A_479 = arith.constant 1.280000e+02 : f32
    %div3A_480 = vector.broadcast %div3A_479 : f32 to vector<512x1xf32>
    %div3A_481 = arith.divf %broadcast_in_dim3A_478, %div3A_480 : vector<512x1xf32>
    %add3A_482 = arith.constant 9.99999974E-6 : f32
    %add3A_483 = vector.broadcast %add3A_482 : f32 to vector<512x1xf32>
    %add3A_484 = arith.addf %div3A_481, %add3A_483 : vector<512x1xf32>
    %rsqrt3A_485 = math.rsqrt %add3A_484 : vector<512x1xf32>
    %mul3A_486 = vector.broadcast %rsqrt3A_485 : vector<512x1xf32> to vector<512x128xf32>
    %mul3A_487 = arith.mulf %sub3A_474, %mul3A_486 : vector<512x128xf32>
    %mul3A_488 = vector.broadcast %get3A_463 : vector<1x128xf32> to vector<512x128xf32>
    %mul3A_489 = arith.mulf %mul3A_487, %mul3A_488 : vector<512x128xf32>
    %add3A_490 = vector.broadcast %get3A_466 : vector<1x128xf32> to vector<512x128xf32>
    %add3A_491 = arith.addf %mul3A_489, %add3A_490 : vector<512x128xf32>
    %swap3A_492 = arith.constant 2 : index
    %swap3A_493 = arith.constant 0 : index
    %swap3A_494 = arith.constant 0 : index
    %swap3A_495 = vector.load %arg16[%swap3A_492, %swap3A_493, %swap3A_494] : memref<4x512x128xf32, #tpu.memory_space<vmem>>, vector<1x512x128xf32>
    %swap3A_496 = vector.shape_cast %swap3A_495 : vector<1x512x128xf32> to vector<512x128xf32>
    %swap3A_497 = vector.shape_cast %add3A_491 : vector<512x128xf32> to vector<1x512x128xf32>
    tpu.vector_store %arg16[%swap3A_492, %swap3A_493, %swap3A_494], %swap3A_497 {strides = array<i32>} : memref<4x512x128xf32, #tpu.memory_space<vmem>>, vector<1x512x128xf32>,
    %get3A_498 = arith.constant 3 : index
    %get3A_499 = arith.constant 0 : index
    %get3A_500 = arith.constant 0 : index
    %get3A_501 = vector.load %arg0[%get3A_498, %get3A_499, %get3A_500] : memref<4x512x128xf32, #tpu.memory_space<vmem>>, vector<1x512x128xf32>
    %get3A_502 = vector.shape_cast %get3A_501 : vector<1x512x128xf32> to vector<512x128xf32>
    %get3A_503 = arith.constant 0 : index
    %get3A_504 = arith.constant 0 : index
    %get3A_505 = vector.load %arg3[%get3A_503, %get3A_504] : memref<512x128xf32, #tpu.memory_space<vmem>>, vector<512x128xf32>
    %add3A_506 = arith.addf %get3A_502, %get3A_505 : vector<512x128xf32>
    %get3A_507 = arith.constant 3 : index
    %get3A_508 = arith.constant 0 : index
    %get3A_509 = arith.constant 0 : index
    %get3A_510 = vector.load %arg1[%get3A_507, %get3A_508, %get3A_509] : memref<4x512x512xi32, #tpu.memory_space<vmem>>, vector<1x512x512xi32>
    %get3A_511 = vector.shape_cast %get3A_510 : vector<1x512x512xi32> to vector<512x512xi32>
    %ne3A_512 = arith.constant 0 : i32
    %ne3A_513 = vector.broadcast %ne3A_512 : i32 to vector<512x512xi32>
    %ne3A_514 = arith.cmpi ne, %get3A_511, %ne3A_513 : vector<512x512xi32>
    %convert_element_type3A_515 = arith.extui %ne3A_514 : vector<512x512xi1> to vector<512x512xi32>
    %convert_element_type3A_516 = arith.sitofp %convert_element_type3A_515 : vector<512x512xi32> to vector<512x512xf32>
    %convert_element_type3A_517 = arith.truncf %convert_element_type3A_516 : vector<512x512xf32> to vector<512x512xbf16>
    %convert_element_type3A_518 = arith.truncf %add3A_506 : vector<512x128xf32> to vector<512x128xbf16>
    %dot_general3A_519 = arith.constant dense<0.000000e+00> : vector<512x128xf32>
    %dot_general3A_520 = tpu.matmul %convert_element_type3A_517, %convert_element_type3A_518, %dot_general3A_519 {dimension_numbers = #tpu.dot_dimension_numbers<[0], [0], [1], [1], [0, 1, 1, 1], [], []>, transpose_lhs_hint = false} : vector<512x512xbf16>, vector<512x128xbf16>, vector<512x128xf32> -> vector<512x128xf32>
    %get3A_521 = arith.constant 0 : index
    %get3A_522 = arith.constant 0 : index
    %get3A_523 = vector.load %arg4[%get3A_521, %get3A_522] : memref<512x1xbf16, #tpu.memory_space<vmem>>, vector<512x1xbf16>
    %dot_general3A_524 = arith.constant dense<0.000000e+00> : vector<512x1xf32>
    %dot_general3A_525 = tpu.matmul %convert_element_type3A_517, %get3A_523, %dot_general3A_524 {dimension_numbers = #tpu.dot_dimension_numbers<[0], [0], [1], [1], [0, 1, 1, 1], [], []>, transpose_lhs_hint = false} : vector<512x512xbf16>, vector<512x1xbf16>, vector<512x1xf32> -> vector<512x1xf32>
    %max3A_526 = arith.constant 1.000000e+00 : f32
    %max3A_527 = vector.broadcast %max3A_526 : f32 to vector<512x1xf32>
    %max3A_528 = arith.maximumf %dot_general3A_525, %max3A_527 : vector<512x1xf32>
    %div3A_529 = vector.broadcast %max3A_528 : vector<512x1xf32> to vector<512x128xf32>
    %div3A_530 = arith.divf %dot_general3A_520, %div3A_529 : vector<512x128xf32>
    %get3A_531 = arith.constant 0 : index
    %get3A_532 = arith.constant 0 : index
    %get3A_533 = vector.load %arg5[%get3A_531, %get3A_532] : memref<128x128xf32, #tpu.memory_space<vmem>>, vector<128x128xf32>
    %dot_general3A_534 = arith.constant dense<0.000000e+00> : vector<512x128xf32>
    %dot_general3A_535 = tpu.matmul %div3A_530, %get3A_533, %dot_general3A_534 {dimension_numbers = #tpu.dot_dimension_numbers<[1], [1], [0], [0], [0, 0, 1, 0], [], []>, transpose_lhs_hint = false} : vector<512x128xf32>, vector<128x128xf32>, vector<512x128xf32> -> vector<512x128xf32>
    %get3A_536 = arith.constant 0 : index
    %get3A_537 = arith.constant 0 : index
    %get3A_538 = vector.load %arg6[%get3A_536, %get3A_537] : memref<1x128xf32, #tpu.memory_space<vmem>>, vector<1x128xf32>
    %add3A_539 = vector.broadcast %get3A_538 : vector<1x128xf32> to vector<512x128xf32>
    %add3A_540 = arith.addf %dot_general3A_535, %add3A_539 : vector<512x128xf32>
    %get3A_541 = arith.constant 0 : index
    %get3A_542 = arith.constant 0 : index
    %get3A_543 = vector.load %arg7[%get3A_541, %get3A_542] : memref<128x128xf32, #tpu.memory_space<vmem>>, vector<128x128xf32>
    %dot_general3A_544 = arith.constant dense<0.000000e+00> : vector<512x128xf32>
    %dot_general3A_545 = tpu.matmul %add3A_506, %get3A_543, %dot_general3A_544 {dimension_numbers = #tpu.dot_dimension_numbers<[1], [1], [0], [0], [0, 0, 1, 0], [], []>, transpose_lhs_hint = false} : vector<512x128xf32>, vector<128x128xf32>, vector<512x128xf32> -> vector<512x128xf32>
    %add3A_546 = arith.addf %add3A_540, %dot_general3A_545 : vector<512x128xf32>
    %get3A_547 = arith.constant 0 : index
    %get3A_548 = arith.constant 0 : index
    %get3A_549 = vector.load %arg8[%get3A_547, %get3A_548] : memref<128x128xf32, #tpu.memory_space<vmem>>, vector<128x128xf32>
    %dot_general3A_550 = arith.constant dense<0.000000e+00> : vector<512x128xf32>
    %dot_general3A_551 = tpu.matmul %add3A_546, %get3A_549, %dot_general3A_550 {dimension_numbers = #tpu.dot_dimension_numbers<[1], [1], [0], [0], [0, 0, 1, 0], [], []>, transpose_lhs_hint = false} : vector<512x128xf32>, vector<128x128xf32>, vector<512x128xf32> -> vector<512x128xf32>
    %get3A_552 = arith.constant 0 : index
    %get3A_553 = arith.constant 0 : index
    %get3A_554 = vector.load %arg9[%get3A_552, %get3A_553] : memref<1x128xf32, #tpu.memory_space<vmem>>, vector<1x128xf32>
    %add3A_555 = vector.broadcast %get3A_554 : vector<1x128xf32> to vector<512x128xf32>
    %add3A_556 = arith.addf %dot_general3A_551, %add3A_555 : vector<512x128xf32>
    %get3A_557 = arith.constant 0 : index
    %get3A_558 = arith.constant 0 : index
    %get3A_559 = vector.load %arg10[%get3A_557, %get3A_558] : memref<1x128xf32, #tpu.memory_space<vmem>>, vector<1x128xf32>
    %get3A_560 = arith.constant 0 : index
    %get3A_561 = arith.constant 0 : index
    %get3A_562 = vector.load %arg11[%get3A_560, %get3A_561] : memref<1x128xf32, #tpu.memory_space<vmem>>, vector<1x128xf32>
    %reduce_sum3A_563 = arith.constant dense<0.000000e+00> : vector<512xf32>
    %reduce_sum3A_564 = vector.multi_reduction <add>, %add3A_556, %reduce_sum3A_563 [1] : vector<512x128xf32> to vector<512xf32>
    %broadcast_in_dim3A_565 = vector.shape_cast %reduce_sum3A_564 : vector<512xf32> to vector<512x1xf32>
    %div3A_566 = arith.constant 1.280000e+02 : f32
    %div3A_567 = vector.broadcast %div3A_566 : f32 to vector<512x1xf32>
    %div3A_568 = arith.divf %broadcast_in_dim3A_565, %div3A_567 : vector<512x1xf32>
    %sub3A_569 = vector.broadcast %div3A_568 : vector<512x1xf32> to vector<512x128xf32>
    %sub3A_570 = arith.subf %add3A_556, %sub3A_569 : vector<512x128xf32>
    %mul3A_571 = arith.mulf %sub3A_570, %sub3A_570 : vector<512x128xf32>
    %reduce_sum3A_572 = arith.constant dense<0.000000e+00> : vector<512xf32>
    %reduce_sum3A_573 = vector.multi_reduction <add>, %mul3A_571, %reduce_sum3A_572 [1] : vector<512x128xf32> to vector<512xf32>
    %broadcast_in_dim3A_574 = vector.shape_cast %reduce_sum3A_573 : vector<512xf32> to vector<512x1xf32>
    %div3A_575 = arith.constant 1.280000e+02 : f32
    %div3A_576 = vector.broadcast %div3A_575 : f32 to vector<512x1xf32>
    %div3A_577 = arith.divf %broadcast_in_dim3A_574, %div3A_576 : vector<512x1xf32>
    %add3A_578 = arith.constant 9.99999974E-6 : f32
    %add3A_579 = vector.broadcast %add3A_578 : f32 to vector<512x1xf32>
    %add3A_580 = arith.addf %div3A_577, %add3A_579 : vector<512x1xf32>
    %rsqrt3A_581 = math.rsqrt %add3A_580 : vector<512x1xf32>
    %mul3A_582 = vector.broadcast %rsqrt3A_581 : vector<512x1xf32> to vector<512x128xf32>
    %mul3A_583 = arith.mulf %sub3A_570, %mul3A_582 : vector<512x128xf32>
    %mul3A_584 = vector.broadcast %get3A_559 : vector<1x128xf32> to vector<512x128xf32>
    %mul3A_585 = arith.mulf %mul3A_583, %mul3A_584 : vector<512x128xf32>
    %add3A_586 = vector.broadcast %get3A_562 : vector<1x128xf32> to vector<512x128xf32>
    %add3A_587 = arith.addf %mul3A_585, %add3A_586 : vector<512x128xf32>
    %get3A_588 = arith.constant 0 : index
    %get3A_589 = arith.constant 0 : index
    %get3A_590 = vector.load %arg12[%get3A_588, %get3A_589] : memref<64x128xf32, #tpu.memory_space<vmem>>, vector<64x128xf32>
    %dot_general3A_591 = arith.constant dense<0.000000e+00> : vector<512x64xf32>
    %dot_general3A_592 = tpu.matmul %add3A_587, %get3A_590, %dot_general3A_591 {dimension_numbers = #tpu.dot_dimension_numbers<[1], [1], [0], [0], [0, 0, 1, 0], [], []>, transpose_lhs_hint = false} : vector<512x128xf32>, vector<64x128xf32>, vector<512x64xf32> -> vector<512x64xf32>
    %get3A_593 = arith.constant 0 : index
    %get3A_594 = arith.constant 0 : index
    %get3A_595 = vector.load %arg13[%get3A_593, %get3A_594] : memref<1x64xf32, #tpu.memory_space<vmem>>, vector<1x64xf32>
    %add3A_596 = vector.broadcast %get3A_595 : vector<1x64xf32> to vector<512x64xf32>
    %add3A_597 = arith.addf %dot_general3A_592, %add3A_596 : vector<512x64xf32>
    %max3A_598 = arith.constant 0.000000e+00 : f32
    %max3A_599 = vector.broadcast %max3A_598 : f32 to vector<512x64xf32>
    %max3A_600 = arith.maximumf %add3A_597, %max3A_599 : vector<512x64xf32>
    %get3A_601 = arith.constant 0 : index
    %get3A_602 = arith.constant 0 : index
    %get3A_603 = vector.load %arg14[%get3A_601, %get3A_602] : memref<1x64xf32, #tpu.memory_space<vmem>>, vector<1x64xf32>
    %mul3A_604 = vector.broadcast %get3A_603 : vector<1x64xf32> to vector<512x64xf32>
    %mul3A_605 = arith.mulf %max3A_600, %mul3A_604 : vector<512x64xf32>
    %reduce_sum3A_606 = arith.constant dense<0.000000e+00> : vector<512xf32>
    %reduce_sum3A_607 = vector.multi_reduction <add>, %mul3A_605, %reduce_sum3A_606 [1] : vector<512x64xf32> to vector<512xf32>
    %broadcast_in_dim3A_608 = vector.shape_cast %reduce_sum3A_607 : vector<512xf32> to vector<512x1xf32>
    %get3A_609 = arith.constant 0 : index
    %get3A_610 = arith.constant 0 : index
    %get3A_611 = vector.load %arg15[%get3A_609, %get3A_610] : memref<1x1xf32, #tpu.memory_space<vmem>>, vector<1x1xf32>
    %add3A_612 = vector.broadcast %get3A_611 : vector<1x1xf32> to vector<512x1xf32>
    %add3A_613 = arith.addf %broadcast_in_dim3A_608, %add3A_612 : vector<512x1xf32>
    %neg3A_614 = arith.constant 0.000000e+00 : f32
    %neg3A_615 = vector.broadcast %neg3A_614 : f32 to vector<512x1xf32>
    %neg3A_616 = arith.subf %neg3A_615, %add3A_613 : vector<512x1xf32>
    %exp3A_617 = math.exp %neg3A_616 : vector<512x1xf32>
    %add3A_618 = arith.constant 1.000000e+00 : f32
    %add3A_619 = vector.broadcast %add3A_618 : f32 to vector<512x1xf32>
    %add3A_620 = arith.addf %add3A_619, %exp3A_617 : vector<512x1xf32>
    %div3A_621 = arith.constant 1.000000e+00 : f32
    %div3A_622 = vector.broadcast %div3A_621 : f32 to vector<512x1xf32>
    %div3A_623 = arith.divf %div3A_622, %add3A_620 : vector<512x1xf32>
    %mul3A_624 = vector.broadcast %div3A_623 : vector<512x1xf32> to vector<512x128xf32>
    %mul3A_625 = arith.mulf %add3A_587, %mul3A_624 : vector<512x128xf32>
    %get3A_626 = arith.constant 3 : index
    %get3A_627 = arith.constant 0 : index
    %get3A_628 = arith.constant 0 : index
    %get3A_629 = vector.load %arg2[%get3A_626, %get3A_627, %get3A_628] : memref<4x512x128xf32, #tpu.memory_space<vmem>>, vector<1x512x128xf32>
    %get3A_630 = vector.shape_cast %get3A_629 : vector<1x512x128xf32> to vector<512x128xf32>
    %add3A_631 = arith.addf %mul3A_625, %get3A_630 : vector<512x128xf32>
    %get3A_632 = arith.constant 0 : index
    %get3A_633 = arith.constant 0 : index
    %get3A_634 = vector.load %arg10[%get3A_632, %get3A_633] : memref<1x128xf32, #tpu.memory_space<vmem>>, vector<1x128xf32>
    %get3A_635 = arith.constant 0 : index
    %get3A_636 = arith.constant 0 : index
    %get3A_637 = vector.load %arg11[%get3A_635, %get3A_636] : memref<1x128xf32, #tpu.memory_space<vmem>>, vector<1x128xf32>
    %reduce_sum3A_638 = arith.constant dense<0.000000e+00> : vector<512xf32>
    %reduce_sum3A_639 = vector.multi_reduction <add>, %add3A_631, %reduce_sum3A_638 [1] : vector<512x128xf32> to vector<512xf32>
    %broadcast_in_dim3A_640 = vector.shape_cast %reduce_sum3A_639 : vector<512xf32> to vector<512x1xf32>
    %div3A_641 = arith.constant 1.280000e+02 : f32
    %div3A_642 = vector.broadcast %div3A_641 : f32 to vector<512x1xf32>
    %div3A_643 = arith.divf %broadcast_in_dim3A_640, %div3A_642 : vector<512x1xf32>
    %sub3A_644 = vector.broadcast %div3A_643 : vector<512x1xf32> to vector<512x128xf32>
    %sub3A_645 = arith.subf %add3A_631, %sub3A_644 : vector<512x128xf32>
    %mul3A_646 = arith.mulf %sub3A_645, %sub3A_645 : vector<512x128xf32>
    %reduce_sum3A_647 = arith.constant dense<0.000000e+00> : vector<512xf32>
    %reduce_sum3A_648 = vector.multi_reduction <add>, %mul3A_646, %reduce_sum3A_647 [1] : vector<512x128xf32> to vector<512xf32>
    %broadcast_in_dim3A_649 = vector.shape_cast %reduce_sum3A_648 : vector<512xf32> to vector<512x1xf32>
    %div3A_650 = arith.constant 1.280000e+02 : f32
    %div3A_651 = vector.broadcast %div3A_650 : f32 to vector<512x1xf32>
    %div3A_652 = arith.divf %broadcast_in_dim3A_649, %div3A_651 : vector<512x1xf32>
    %add3A_653 = arith.constant 9.99999974E-6 : f32
    %add3A_654 = vector.broadcast %add3A_653 : f32 to vector<512x1xf32>
    %add3A_655 = arith.addf %div3A_652, %add3A_654 : vector<512x1xf32>
    %rsqrt3A_656 = math.rsqrt %add3A_655 : vector<512x1xf32>
    %mul3A_657 = vector.broadcast %rsqrt3A_656 : vector<512x1xf32> to vector<512x128xf32>
    %mul3A_658 = arith.mulf %sub3A_645, %mul3A_657 : vector<512x128xf32>
    %mul3A_659 = vector.broadcast %get3A_634 : vector<1x128xf32> to vector<512x128xf32>
    %mul3A_660 = arith.mulf %mul3A_658, %mul3A_659 : vector<512x128xf32>
    %add3A_661 = vector.broadcast %get3A_637 : vector<1x128xf32> to vector<512x128xf32>
    %add3A_662 = arith.addf %mul3A_660, %add3A_661 : vector<512x128xf32>
    %swap3A_663 = arith.constant 3 : index
    %swap3A_664 = arith.constant 0 : index
    %swap3A_665 = arith.constant 0 : index
    %swap3A_666 = vector.load %arg16[%swap3A_663, %swap3A_664, %swap3A_665] : memref<4x512x128xf32, #tpu.memory_space<vmem>>, vector<1x512x128xf32>
    %swap3A_667 = vector.shape_cast %swap3A_666 : vector<1x512x128xf32> to vector<512x128xf32>
    %swap3A_668 = vector.shape_cast %add3A_662 : vector<512x128xf32> to vector<1x512x128xf32>
    tpu.vector_store %arg16[%swap3A_663, %swap3A_664, %swap3A_665], %swap3A_668 {strides = array<i32>} : memref<4x512x128xf32, #tpu.memory_space<vmem>>, vector<1x512x128xf32>,
    return
  }
}

</mosaic_0001>

<sc_bundles>
// kernel: kernel.4.cloned.1.call-start
scs
__scs_entry_jumppad:
0x0: {  	(pc) =	sbr.rel $0x88, $3  }
0x1: {  	(tag) =	ssettag $0x0;
	lr =	simm.s32 $0x1  }
0x2: {  	[smem:$0x3F8F] =	sst lr;
	_ =	strace $0xD0000000  }
0x3: {  	_ = 	snop  }
0x4: {  	_ = 	snop  }
0x5: {  	_ = 	snop  }
0x6: {  	_ = 	snop  }
0x7: {  	_ = 	snop  }
__scs_overlays_trampoline_lowered:
0x8: {  	[smem:$0x3F9E] =	sst s0  }
0x9: {  	[smem:$0x3F9F] =	sst s1  }
0xa: {  	[smem:$0x3FA0] =	sst s2  }
0xb: {  	[smem:$0x3FA1] =	sst s3  }
0xc: {  	[smem:$0x3FA2] =	sst s4  }
0xd: {  	[smem:$0x3FA3] =	sst s5  }
0xe: {  	[smem:$0x3FA4] =	sst s6  }
0xf: {  	[smem:$0x3FA5] =	sst s7  }
0x10: {  	[smem:$0x3FA6] =	sst s8  }
0x11: {  	[smem:$0x3FA7] =	sst s9;
	s0 =	simm.s32 @!p0 $0x0  }
0x12: {  	s1 =	sld [smem:$0x3F8D];
	s0 =	simm.s32 @p0 $0x1  }
0x13: {  	[smem:$0x3FA8] =	sst s0;
	s0 =	simm.s32 @!p1 $0x0  }
0x14: {  	s2 =	sld [smem:$0x3F8C];
	s0 =	simm.s32 @p1 $0x1  }
0x15: {  	[smem:$0x3FA9] =	sst s0;
	s0 =	simm.s32 @!p2 $0x0  }
0x16: {  	s3 =	sld [smem:$0x3FDB];
	s0 =	simm.s32 @p2 $0x1  }
0x17: {  	s4 =	simm.s32 $0x1BF5;
	[smem:$0x3FAB] =	sst s0  }
0x18: {  	s0 =	sld [smem:$0x3F8E];
	_ =	swait.ge [sflag:s4], $0x0  }
0x19: {  	s7 =	sld [smem:$0x3F8F]  }
0x1a: {  	s8 =	sadd.s32 $0xFFFFE003, lr  }
0x1b: {  	s9 =	sadd.s32 $0xFFFFFEF7, lr;
	s5 =	simm.s32 $0xFFFFFFFF;
	p2 =	slt.u32 s8, $0xFFFFF086  }
0x1c: {  	p1 =	slt.u32 s9, $0xF7A;
	s5 =	simm.s32 @!p2 $0x0  }
0x1d: {  	s5 =	simm.s32 @p1 $0x1;
	p0 =	seq.s32 s7, s2  }
0x1e: {  	s7 =	smul.u32 @!p0 $0xF7A, s2;
	p2 =	seq.s32 @!p0 s5, $0x0  }
0x1f: {  	s9 =	smul.u32 $0xF7A, s1;
	s8 =	simm.s32 @!p0 $0x1BF5;
	p2 =	por !p2, p0  }
0x20: {  	[sflag:s8] =	ssyncset.s32 @!p0 $0xFFFFF086;
	s6 =	sadd.s32 @!p0 s3, s7;
	s7 =	simm.s32 @!p0 $0x108  }
0x21: {  	s3 =	sadd.s32 s3, s9;
	s6 =	sadd.s32 @!p0 $0x88, s6;
	s7 =	simm.s32 @p2 $0x1082  }
0x22: {  	[simem:s7], [sflag:s8] =	dma.local @!p0 [hbm:s6], $0xF7A  }
0x23: {  	s9 =	sor.u32 $0xD0000000, s2;
	s6 =	simm.s32 $0x108;
	_ =	swait.ge @!p0 [sflag:s8], $0x0  }
0x24: {  	s3 =	sadd.s32 $0x88, s3;
	s6 =	simm.s32 @!p1 $0x1082;
	[sflag:s4] =	ssyncset.s32 $0xFFFFF086  }
0x25: {  	[simem:s6], [sflag:s4] =	dma.local [hbm:s3], $0xF7A  }
0x26: {  	[smem:$0x3F8F] =	sst s1;
	(tag) =	ssettag s2;
	_ =	strace s9  }
0x27: {  	s1 =	sld [smem:$0x3F9F]  }
0x28: {  	s2 =	sld [smem:$0x3FA0]  }
0x29: {  	s4 =	sld [smem:$0x3FA2]  }
0x2a: {  	p0 =	seq.s32 s5, $0x0;
	s5 =	sld [smem:$0x3FA3]  }
0x2b: {  	s6 =	sld [smem:$0x3FA4]  }
0x2c: {  	s7 =	sld [smem:$0x3FA5]  }
0x2d: {  	s3 =	simm.s32 $0x108;
	s8 =	sld [smem:$0x3FA6]  }
0x2e: {  	s3 =	simm.s32 @!p0 $0x1082;
	s9 =	sld [smem:$0x3FA7]  }
0x2f: {  	lr =	sadd.s32 s0, s3;
	s0 =	sld [smem:$0x3F9E]  }
0x30: {  	s3 =	sld [smem:$0x3FA1]  }
0x31: {  	[smem:$0x3FAA] =	sst s10  }
0x32: {  	s10 =	sld [smem:$0x3FA8];
	_ =	sdelay $0x3  }
0x33: {  	p0 =	seq.s32 s10, $0x1;
	s10 =	sld [smem:$0x3FAA];
	_ =	sdelay $0x3  }
0x34: {  	[smem:$0x3FAA] =	sst s10  }
0x35: {  	s10 =	sld [smem:$0x3FA9];
	_ =	sdelay $0x3  }
0x36: {  	p1 =	seq.s32 s10, $0x1;
	s10 =	sld [smem:$0x3FAA];
	_ =	sdelay $0x3  }
0x37: {  	[smem:$0x3FAA] =	sst s10  }
0x38: {  	s10 =	sld [smem:$0x3FAB]  }
0x39: {  	_ = 	snop;
	(pc) =	sbr.ind lr, $3  }
0x3a: {  	_ = 	snop  }
0x3b: {  	_ = 	snop  }
0x3c: {  	p2 =	seq.s32 s10, $0x1;
	s10 =	sld [smem:$0x3FAA]  }
0x3d: {  	_ =	shalt  }
0x3e: {  	_ =	shalt  }
0x3f: {  	_ =	shalt  }
0x40: {  	_ =	shalt  }
0x41: {  	_ =	shalt  }
0x42: {  	_ =	shalt  }
0x43: {  	_ =	shalt  }
0x44: {  	_ =	shalt  }
0x45: {  	_ =	shalt  }
0x46: {  	_ =	shalt  }
0x47: {  	_ =	shalt  }
0x48: {  	_ =	shalt  }
0x49: {  	_ =	shalt  }
0x4a: {  	_ =	shalt  }
0x4b: {  	_ =	shalt  }
0x4c: {  	_ =	shalt  }
0x4d: {  	_ =	shalt  }
0x4e: {  	_ =	shalt  }
0x4f: {  	_ =	shalt  }
0x50: {  	_ =	shalt  }
0x51: {  	_ =	shalt  }
0x52: {  	_ =	shalt  }
0x53: {  	_ =	shalt  }
0x54: {  	_ =	shalt  }
0x55: {  	_ =	shalt  }
0x56: {  	_ =	shalt  }
0x57: {  	_ =	shalt  }
0x58: {  	_ =	shalt  }
0x59: {  	_ =	shalt  }
0x5a: {  	_ =	shalt  }
0x5b: {  	_ =	shalt  }
0x5c: {  	_ =	shalt  }
0x5d: {  	_ =	shalt  }
0x5e: {  	_ =	shalt  }
0x5f: {  	_ =	shalt  }
0x60: {  	_ =	shalt  }
0x61: {  	_ =	shalt  }
0x62: {  	_ =	shalt  }
0x63: {  	_ =	shalt  }
0x64: {  	_ =	shalt  }
0x65: {  	_ =	shalt  }
0x66: {  	_ =	shalt  }
0x67: {  	_ =	shalt  }
0x68: {  	_ =	shalt  }
0x69: {  	_ =	shalt  }
0x6a: {  	_ =	shalt  }
0x6b: {  	_ =	shalt  }
0x6c: {  	_ =	shalt  }
0x6d: {  	_ =	shalt  }
0x6e: {  	_ =	shalt  }
0x6f: {  	_ =	shalt  }
0x70: {  	_ =	shalt  }
0x71: {  	_ =	shalt  }
0x72: {  	_ =	shalt  }
0x73: {  	_ =	shalt  }
0x74: {  	_ =	shalt  }
0x75: {  	_ =	shalt  }
0x76: {  	_ =	shalt  }
0x77: {  	_ =	shalt  }
0x78: {  	_ =	shalt  }
0x79: {  	_ =	shalt  }
0x7a: {  	_ =	shalt  }
0x7b: {  	_ =	shalt  }
0x7c: {  	_ =	shalt  }
0x7d: {  	_ =	shalt  }
0x7e: {  	_ =	shalt  }
0x7f: {  	_ =	shalt  }
0x80: {  	_ =	shalt  }
0x81: {  	_ =	shalt  }
0x82: {  	_ =	shalt  }
0x83: {  	_ =	shalt  }
0x84: {  	_ =	shalt  }
0x85: {  	_ =	shalt  }
0x86: {  	_ =	shalt  }
0x87: {  	_ =	shalt  }
.Lfunc_end0:
.L_simem_size_0:
called_computation_lowered:
.L_overlay_start_0:
0x88: {  	s2 =	sld [smem:$0x3FD9]  }
0x89: {  	s3 =	sld [smem:$0x3FFE];
	_ =	sdelay $0x1  }
0x8a: {  	s1 =	srdreg.scid  }
0x8b: {  	s0 =	sand.u32 $0x1, s1  }
0x8c: {  	s17 =	sshll.u32 s0, $0xA;
	s2 =	sadd.s32 s3, s2  }
0x8d: {  	s2 =	sadd.s32 s2, s17  }
0x8e: {  	[smem:$0x3FB6] =	sst s2  }
0x8f: {  	_ = 	snop  }
0x90: {  	s2 =	sld [smem:$0x3FC5]  }
0x91: {  	s18 =	sld [smem:$0x3FC4]  }
0x92: {  	s4 =	sld [smem:$0x3FC3]  }
0x93: {  	s5 =	sld [smem:$0x3FD0];
	(tm) =	ssettm $0x1  }
0x94: {  	s6 =	sld [smem:$0x3FFB];
	_ =	sdelay $0x3  }
0x95: {  	_ =	strace s6  }
0x96: {  	s6 =	sld [smem:$0x3FFC];
	_ =	sdelay $0x3  }
0x97: {  	_ =	strace s6  }
0x98: {  	s6 =	sld [smem:$0x3FFD];
	_ =	sdelay $0x3  }
0x99: {  	_ =	strace s6  }
0x9a: {  	_ =	strace $0x8FFFFFFF  }
0x9b: {  	s19 =	sld [smem:$0x3FDB];
	_ =	sdelay $0x1  }
0x9c: {  	s7 =	simm.s32 $_scs_section_size  }
0x9d: {  	s8 =	simm.s32 $_size__tile_overlayer_lowered;
	s9 =	simm.s32 $_tile_overlayer_lowered  }
0x9e: {  	s22 =	simm.s32 $0x1BFF;
	s21 =	sshll.u32 s9, $0x1;
	s6 =	sadd.s32 s7, s19  }
0x9f: {  	s10 =	simm.s32 $0x0;
	s20 =	sshll.u32 s8, $0x1;
	s8 =	sadd.s32 s21, s6  }
0xa0: {  	[timem:s10], [sflag:s22] =	dma.local [hbm:s8], s20  }
0xa1: {  	_ =	swait.ge [sflag:s22], s20  }
0xa2: {  	s7 =	ssub.s32 $0x0, s20;
	[sflag:s22] =	ssyncset.done $0x0  }
0xa3: {  	[sflag:s22] =	ssyncadd.s32 s7;
	_ =	sdelay $0x1  }
0xa4: {  	s23 =	simm.s32 $0x1B8B  }
0xa5: {  	_ =	swait.ge [sflag:s23], $0x1  }
0xa6: {  	[sflag:s23] =	ssyncset.done $0x0  }
0xa7: {  	s25 =	simm.s32 $0x1B8E;
	s24 =	sld [smem:$0x3FFE];
	[sflag:s23] =	ssyncadd.s32 $0xFFFFFFFF  }
0xa8: {  	s26 =	simm.s32 $execute0_lowered;
	[smem:$0x3FD2] =	sst s25  }
0xa9: {  	s8 =	sshll.u32 s26, $0x1;
	_ =	strace $0x80000046;
	[dreg:$0x1] =	wrdreg $0xFFFFFFFF  }
0xaa: {  	s28 =	simm.s32 $_size_execute0_lowered;
	s6 =	sadd.s32 s6, s8;
	[dreg:$0x0] =	wrdreg $0x0  }
0xab: {  	s8 =	sshll.u32 s28, $0x1;
	[dreg:$0x2] =	wrdreg s6  }
0xac: {  	[dreg:$0x3] =	wrdreg s8  }
0xad: {  	[dreg:$0x4] =	wrdreg $0xC0  }
0xae: {  	_ =	task [dreg:s10], $0x5FFFF  }
0xaf: {  	[dreg:$0x1] =	wrdreg $0xFFFFFFFF  }
0xb0: {  	[dreg:$0x0] =	wrdreg $0x60  }
0xb1: {  	[dreg:$0x2] =	wrdreg s2  }
0xb2: {  	[dreg:$0x3] =	wrdreg s18  }
0xb3: {  	[dreg:$0x4] =	wrdreg s4  }
0xb4: {  	[dreg:$0x5] =	wrdreg s24  }
0xb5: {  	[dreg:$0x6] =	wrdreg s5  }
0xb6: {  	[dreg:$0x7] =	wrdreg $0x9  }
0xb7: {  	_ =	task.clear_ibuf [dreg:s10], $0x8FFFF;
	_ =	strace $0x90000046  }
0xb8: {  	s29 =	simm.s32 $0x9;
	_ =	strace $0x80000048  }
0xb9: {  	_ =	swait.ge [sflag:s29], $0x1  }
0xba: {  	[sflag:s29] =	ssyncadd.s32 $0xFFFFFFFF  }
0xbb: {  	_ =	strace $0x90000048  }
0xbc: {  	_ =	sfence  }
0xbd: {  	s30 =	sld [smem:$0x0];
	_ =	sdelay $0x2  }
0xbe: {  	s31 =	sshll.u32 s1, $0xD;
	s1 =	sshrl.u32 s1, $0x2  }
0xbf: {  	s3 =	sand.u32 $0x4000, s31;
	s1 =	sadd.s32 s1, s30  }
0xc0: {  	s0 =	sor.u32 s3, s0;
	s1 =	sshll.u32 s1, $0x11  }
0xc1: {  	s0 =	sor.u32 s1, s0  }
0xc2: {  	s0 =	sadd.s32 $0x8F2B, s0  }
0xc3: {  	[sflag:s0] =	ssyncadd.remote.s32 $0x1  }
0xc4: {  	_ =	sfence.sel $0xFFFF  }
0xc5: {  	[dreg:$0x0] =	wrdreg $0xFFFFFFFF;
	(pc) =	sbr.abs _section_cstart, $3  }
0xc6: {  	[dreg:$0x1] =	wrdreg $0xFFFFFFFF  }
0xc7: {  	_ =	task.clear_ibuf [dreg:s10], $0x2FFFF;
	_ =	strace $0x9FFFFFFF  }
0xc8: {  	(tm) =	ssettm $0x7FFFFFFF  }
0xc9: {  	_ =	shalt  }
tec
execute0_lowered:
.L_overlay_start_1:
0x0: {  	(tag) =	ssettag $0x1  }
0x1: {  	s1 =	rddreg [dreg:$0x0]  }
0x2: {  	s2 =	rddreg [dreg:$0x1]  }
0x3: {  	s3 =	rddreg [dreg:$0x2]  }
0x4: {  	s6 =	rddreg [dreg:$0x3]  }
0x5: {  	s9 =	rddreg [dreg:$0x4]  }
0x6: {  	s0 =	rddreg [dreg:$0x5]  }
0x7: {  	s5 =	simm.s32 $0x0;
	s7 =	srdreg.scid;
	s4 =	stileid.u32  }
0x8: {  	s14 =	simm.s32 $0x2200;
	s15 =	simm.s32 $0x100;
	s16 =	simm.s32 $0x4200  }
0x9: {  	s17 =	simm.s32 $0x180;
	s18 =	simm.s32 $0x6200;
	s19 =	simm.s32 $0x200  }
0xa: {  	s20 =	simm.s32 $0x1;
	s21 =	simm.s32 $0x3200;
	s22 =	simm.s32 $0x2  }
0xb: {  	[smem:$0x7FF] =	sst s5;
	s7 =	sand.u32 $0x1, s7;
	s8 =	sshll.u32 s4, $0x1  }
0xc: {  	s23 =	simm.s32 $0x0;
	_ =	strace $0x80000047;
	s8 =	sor.u32 s7, s8  }
0xd: {  	s7 =	ssub.s32 $0x2, s7;
	s10 =	sshll.u32 s8, $0x6;
	s11 =	sshll.u32 s8, $0xA  }
0xe: {  	s31 =	sshrl.u32 s7, $0x1;
	s10 =	sadd.s32 s10, s6;
	s12 =	sadd.s32 s11, s6  }
0xf: {  	s13 =	ssub.s32 s7, s31;
	s9 =	sadd.s32 s9, s11;
	s11 =	simm.s32 $0x3  }
0x10: {  	s6 =	sadd.s32 $0x1C00, s10;
	s7 =	sadd.s32 $0x2400, s12;
	s8 =	sadd.s32 $0x2600, s12  }
0x11: {  	s10 =	smax.u32 s13, $0x1;
	s12 =	simm.s32 $0x40;
	s13 =	simm.s32 $0x80  }
.LBB2_1:
0x12: {  	[tilespmem:s5], [sflag:$0x3] =	stream.linear.gather [hbm4b:s6+s5], $0x200, $0x38;
	[tilespmem:$0x8200] =	vst v63  }
0x13: {  	_ =	swait.ge [sflag:s11], $0x200  }
0x14: {  	[sflag:s11] =	ssyncset.done $0x0  }
0x15: {  	[sflag:s11] =	ssyncadd.s32 $0xFFFFFE00  }
0x16: {  	[tilespmem:s14], [sflag:$0x1] =	stream.indirect.gather [hbm4b:s2+s12], $0x80, s13, s12, $0xb8;
	[tilespmem:$0x8200] =	vst v63  }
0x17: {  	_ = 	snop  }
0x18: {  	[tilespmem:s16], [sflag:$0x1] =	stream.indirect.gather [hbm4b:s2+s12], $0x80, s15, s12, $0xb8;
	[tilespmem:$0x8200] =	vst v63  }
0x19: {  	_ = 	snop  }
0x1a: {  	[tilespmem:s18], [sflag:$0x1] =	stream.indirect.gather [hbm4b:s3+s12], $0x80, s17, s12, $0xb8;
	[tilespmem:$0x8200] =	vst v63  }
0x1b: {  	_ = 	snop  }
0x1c: {  	[tilespmem:s19], [sflag:$0x1] =	stream.indirect.gather [hbm4b:s1+s12], $0x80, s5, s12, $0xb8;
	[tilespmem:$0x8200] =	vst v63  }
0x1d: {  	_ =	swait.ge [sflag:s20], $0x2000  }
0x1e: {  	[sflag:s20] =	ssyncset.done $0x0  }
0x1f: {  	[sflag:s20] =	ssyncadd.s32 $0xFFFFE000  }
0x20: {  	_ =	swait.ge [sflag:s20], $0x2000  }
0x21: {  	[sflag:s20] =	ssyncset.done $0x0  }
0x22: {  	[sflag:s20] =	ssyncadd.s32 $0xFFFFE000  }
0x23: {  	_ =	swait.ge [sflag:s20], $0x2000  }
0x24: {  	[sflag:s20] =	ssyncset.done $0x0  }
0x25: {  	s24 =	simm.s32 $0x0;
	[sflag:s20] =	ssyncadd.s32 $0xFFFFE000  }
0x26: {  	v5 =	vld [tilespmem:s24+$0x6200]  }
0x27: {  	v4 =	vld [tilespmem:s24+$0x6210]  }
0x28: {  	v3 =	vld [tilespmem:s24+$0x6220]  }
0x29: {  	v2 =	vld [tilespmem:s24+$0x6230]  }
0x2a: {  	v1 =	vld [tilespmem:s24+$0x6240]  }
0x2b: {  	v0 =	vld [tilespmem:s24+$0x6250]  }
0x2c: {  	v12 =	vld [tilespmem:s24+$0x4200]  }
0x2d: {  	v17 =	vld [tilespmem:s24+$0x4210]  }
0x2e: {  	v11 =	vld [tilespmem:s24+$0x4220]  }
0x2f: {  	v10 =	vld [tilespmem:s24+$0x4230]  }
0x30: {  	v9 =	vld [tilespmem:s24+$0x4240]  }
0x31: {  	v8 =	vld [tilespmem:s24+$0x4250]  }
0x32: {  	v7 =	vld [tilespmem:s24+$0x4260]  }
0x33: {  	v6 =	vld [tilespmem:s24+$0x4270]  }
0x34: {  	v18 =	vld [tilespmem:s24+$0x2200]  }
0x35: {  	v19 =	vld [tilespmem:s24+$0x2210]  }
0x36: {  	v16 =	vld [tilespmem:s24+$0x2220]  }
0x37: {  	v15 =	vld [tilespmem:s24+$0x2230]  }
0x38: {  	v14 =	vld [tilespmem:s24+$0x2240]  }
0x39: {  	v13 =	vld [tilespmem:s24+$0x2250];
	v18 =	vadd.f32 v12, v18  }
0x3a: {  	s25 =	simm.s32 $0x200;
	v17 =	vadd.f32 v17, v19;
	v12 =	vld [tilespmem:s24+$0x2260]  }
.LBB2_2:
0x3b: {  	p0 =	sne.s32 s25, $0x3E00;
	v5 =	vadd.f32 v5, v18;
	v11 =	vadd.f32 v11, v16;
	v16 =	vld [tilespmem:s24+$0x2270]  }
0x3c: {  	v4 =	vadd.f32 v4, v17;
	v10 =	vadd.f32 v10, v15;
	v15 =	vld [tilespmem:s24+$0x6260]  }
0x3d: {  	s26 =	sshra.s32 s25, $0x2;
	[tilespmem:s24+$0x2200] =	vst v5;
	v3 =	vadd.f32 v3, v11;
	v9 =	vadd.f32 v9, v14;
	v11 =	vld [tilespmem:s24+$0x6270]  }
0x3e: {  	v5 =	vld [tilespmem:s26+$0x6200];
	[tilespmem:s24+$0x2210] =	vst v4;
	v2 =	vadd.f32 v2, v10;
	v8 =	vadd.f32 v8, v13  }
0x3f: {  	v4 =	vld [tilespmem:s26+$0x6210];
	[tilespmem:s24+$0x2220] =	vst v3;
	v1 =	vadd.f32 v1, v9;
	v7 =	vadd.f32 v7, v12  }
0x40: {  	v3 =	vld [tilespmem:s26+$0x6220];
	[tilespmem:s24+$0x2230] =	vst v2;
	v0 =	vadd.f32 v0, v8;
	v6 =	vadd.f32 v6, v16  }
0x41: {  	v2 =	vld [tilespmem:s26+$0x6230];
	[tilespmem:s24+$0x2240] =	vst v1;
	v7 =	vadd.f32 v15, v7  }
0x42: {  	v1 =	vld [tilespmem:s26+$0x6240];
	[tilespmem:s24+$0x2250] =	vst v0;
	v6 =	vadd.f32 v11, v6  }
0x43: {  	v0 =	vld [tilespmem:s26+$0x6250];
	[tilespmem:s24+$0x2260] =	vst v7  }
0x44: {  	v12 =	vld [tilespmem:s26+$0x4200];
	[tilespmem:s24+$0x2270] =	vst v6;
	s24 =	smov.u32 s26  }
0x45: {  	v17 =	vld [tilespmem:s24+$0x4210]  }
0x46: {  	v11 =	vld [tilespmem:s24+$0x4220]  }
0x47: {  	v10 =	vld [tilespmem:s24+$0x4230]  }
0x48: {  	v9 =	vld [tilespmem:s24+$0x4240]  }
0x49: {  	v8 =	vld [tilespmem:s24+$0x4250]  }
0x4a: {  	v7 =	vld [tilespmem:s24+$0x4260]  }
0x4b: {  	v6 =	vld [tilespmem:s24+$0x4270]  }
0x4c: {  	v13 =	vld [tilespmem:s24+$0x2200]  }
0x4d: {  	v19 =	vld [tilespmem:s24+$0x2210]  }
.Ltmp0:
0x4e: {  	v16 =	vld [tilespmem:s24+$0x2220];
	(pc) =	sbr.rel @p0 .LBB2_2-.Ltmp0, $4  }
0x4f: {  	v15 =	vld [tilespmem:s24+$0x2230]  }
0x50: {  	v14 =	vld [tilespmem:s24+$0x2240]  }
0x51: {  	v18 =	vadd.f32 v12, v13;
	v13 =	vld [tilespmem:s24+$0x2250]  }
0x52: {  	s25 =	sadd.s32 $0x200, s25;
	v17 =	vadd.f32 v17, v19;
	v12 =	vld [tilespmem:s24+$0x2260]  }
0x53: {  	v5 =	vadd.f32 v5, v18;
	v18 =	vld [tilespmem:s24+$0x2270];
	v11 =	vadd.f32 v11, v16  }
0x54: {  	v16 =	vld [tilespmem:s24+$0x6260];
	v4 =	vadd.f32 v4, v17;
	v10 =	vadd.f32 v10, v15  }
0x55: {  	[tilespmem:s24+$0x2200] =	vst v5;
	v3 =	vadd.f32 v3, v11;
	v5 =	vadd.f32 v9, v14;
	v9 =	vld [tilespmem:s24+$0x6270]  }
0x56: {  	[tilespmem:s24+$0x2210] =	vst v4;
	v2 =	vadd.f32 v2, v10;
	v4 =	vadd.f32 v8, v13  }
0x57: {  	[tilespmem:s24+$0x2220] =	vst v3;
	v1 =	vadd.f32 v1, v5;
	v3 =	vadd.f32 v7, v12  }
0x58: {  	[tilespmem:s24+$0x2230] =	vst v2;
	v0 =	vadd.f32 v0, v4;
	v2 =	vadd.f32 v6, v18  }
0x59: {  	[tilespmem:s24+$0x2240] =	vst v1;
	v1 =	vadd.f32 v16, v3  }
0x5a: {  	[tilespmem:s24+$0x2250] =	vst v0;
	v0 =	vadd.f32 v9, v2  }
0x5b: {  	[tilespmem:s24+$0x2260] =	vst v1  }
0x5c: {  	s31 =	simm.s32 $0x0;
	[tilespmem:s24+$0x2270] =	vst v0;
	s24 =	simm.s32 $0x0  }
0x5d: {  	[hbm4b:s7+s31] =	stream.linear.scatter [tilespmem:s14], [sflag:$0x2], $0x1000, $0x38;
	[tilespmem:$0x8200] =	vst v63  }
0x5e: {  	v5 =	vld [tilespmem:s24+$0x7200]  }
0x5f: {  	v4 =	vld [tilespmem:s24+$0x7210]  }
0x60: {  	v3 =	vld [tilespmem:s24+$0x7220]  }
0x61: {  	v2 =	vld [tilespmem:s24+$0x7230]  }
0x62: {  	v1 =	vld [tilespmem:s24+$0x7240]  }
0x63: {  	v0 =	vld [tilespmem:s24+$0x7250]  }
0x64: {  	v12 =	vld [tilespmem:s24+$0x5200]  }
0x65: {  	v17 =	vld [tilespmem:s24+$0x5210]  }
0x66: {  	v11 =	vld [tilespmem:s24+$0x5220]  }
0x67: {  	v10 =	vld [tilespmem:s24+$0x5230]  }
0x68: {  	v9 =	vld [tilespmem:s24+$0x5240]  }
0x69: {  	v8 =	vld [tilespmem:s24+$0x5250]  }
0x6a: {  	v7 =	vld [tilespmem:s24+$0x5260]  }
0x6b: {  	v6 =	vld [tilespmem:s24+$0x5270]  }
0x6c: {  	v18 =	vld [tilespmem:s24+$0x3200]  }
0x6d: {  	v19 =	vld [tilespmem:s24+$0x3210]  }
0x6e: {  	v16 =	vld [tilespmem:s24+$0x3220]  }
0x6f: {  	v15 =	vld [tilespmem:s24+$0x3230]  }
0x70: {  	v14 =	vld [tilespmem:s24+$0x3240]  }
0x71: {  	v13 =	vld [tilespmem:s24+$0x3250];
	v18 =	vadd.f32 v12, v18  }
0x72: {  	s25 =	simm.s32 $0x200;
	v17 =	vadd.f32 v17, v19;
	v12 =	vld [tilespmem:s24+$0x3260]  }
.LBB2_4:
0x73: {  	p0 =	sne.s32 s25, $0x3E00;
	v5 =	vadd.f32 v5, v18;
	v11 =	vadd.f32 v11, v16;
	v16 =	vld [tilespmem:s24+$0x3270]  }
0x74: {  	v4 =	vadd.f32 v4, v17;
	v10 =	vadd.f32 v10, v15;
	v15 =	vld [tilespmem:s24+$0x7260]  }
0x75: {  	s26 =	sshra.s32 s25, $0x2;
	[tilespmem:s24+$0x3200] =	vst v5;
	v3 =	vadd.f32 v3, v11;
	v9 =	vadd.f32 v9, v14;
	v11 =	vld [tilespmem:s24+$0x7270]  }
0x76: {  	v5 =	vld [tilespmem:s26+$0x7200];
	[tilespmem:s24+$0x3210] =	vst v4;
	v2 =	vadd.f32 v2, v10;
	v8 =	vadd.f32 v8, v13  }
0x77: {  	v4 =	vld [tilespmem:s26+$0x7210];
	[tilespmem:s24+$0x3220] =	vst v3;
	v1 =	vadd.f32 v1, v9;
	v7 =	vadd.f32 v7, v12  }
0x78: {  	v3 =	vld [tilespmem:s26+$0x7220];
	[tilespmem:s24+$0x3230] =	vst v2;
	v0 =	vadd.f32 v0, v8;
	v6 =	vadd.f32 v6, v16  }
0x79: {  	v2 =	vld [tilespmem:s26+$0x7230];
	[tilespmem:s24+$0x3240] =	vst v1;
	v7 =	vadd.f32 v15, v7  }
0x7a: {  	v1 =	vld [tilespmem:s26+$0x7240];
	[tilespmem:s24+$0x3250] =	vst v0;
	v6 =	vadd.f32 v11, v6  }
0x7b: {  	v0 =	vld [tilespmem:s26+$0x7250];
	[tilespmem:s24+$0x3260] =	vst v7  }
0x7c: {  	v12 =	vld [tilespmem:s26+$0x5200];
	[tilespmem:s24+$0x3270] =	vst v6;
	s24 =	smov.u32 s26  }
0x7d: {  	v17 =	vld [tilespmem:s24+$0x5210]  }
0x7e: {  	v11 =	vld [tilespmem:s24+$0x5220]  }
0x7f: {  	v10 =	vld [tilespmem:s24+$0x5230]  }
0x80: {  	v9 =	vld [tilespmem:s24+$0x5240]  }
0x81: {  	v8 =	vld [tilespmem:s24+$0x5250]  }
0x82: {  	v7 =	vld [tilespmem:s24+$0x5260]  }
0x83: {  	v6 =	vld [tilespmem:s24+$0x5270]  }
0x84: {  	v13 =	vld [tilespmem:s24+$0x3200]  }
0x85: {  	v19 =	vld [tilespmem:s24+$0x3210]  }
.Ltmp1:
0x86: {  	v16 =	vld [tilespmem:s24+$0x3220];
	(pc) =	sbr.rel @p0 .LBB2_4-.Ltmp1, $4  }
0x87: {  	v15 =	vld [tilespmem:s24+$0x3230]  }
0x88: {  	v14 =	vld [tilespmem:s24+$0x3240]  }
0x89: {  	v18 =	vadd.f32 v12, v13;
	v13 =	vld [tilespmem:s24+$0x3250]  }
0x8a: {  	s25 =	sadd.s32 $0x200, s25;
	v17 =	vadd.f32 v17, v19;
	v12 =	vld [tilespmem:s24+$0x3260]  }
0x8b: {  	v5 =	vadd.f32 v5, v18;
	v55 =	vld [tilespmem:s24+$0x3270];
	v11 =	vadd.f32 v11, v16  }
0x8c: {  	v56 =	vld [tilespmem:s24+$0x7260];
	v4 =	vadd.f32 v4, v17;
	v10 =	vadd.f32 v10, v15  }
0x8d: {  	v58 =	vld [tilespmem:s24+$0x7270];
	[tilespmem:s24+$0x3200] =	vst v5;
	v3 =	vadd.f32 v3, v11;
	v57 =	vadd.f32 v9, v14  }
0x8e: {  	[tilespmem:s24+$0x3210] =	vst v4;
	v2 =	vadd.f32 v2, v10;
	v59 =	vadd.f32 v8, v13  }
0x8f: {  	[tilespmem:s24+$0x3220] =	vst v3;
	v1 =	vadd.f32 v1, v57;
	v60 =	vadd.f32 v7, v12  }
0x90: {  	[tilespmem:s24+$0x3230] =	vst v2;
	v0 =	vadd.f32 v0, v59;
	v61 =	vadd.f32 v6, v55  }
0x91: {  	[tilespmem:s24+$0x3240] =	vst v1;
	v62 =	vadd.f32 v56, v60  }
0x92: {  	[tilespmem:s24+$0x3250] =	vst v0;
	v63 =	vadd.f32 v58, v61  }
0x93: {  	[tilespmem:s24+$0x3260] =	vst v62  }
0x94: {  	[tilespmem:s24+$0x3270] =	vst v63  }
0x95: {  	[hbm4b:s8+s5] =	stream.linear.scatter [tilespmem:s21], [sflag:$0x2], $0x1000, $0x38;
	[tilespmem:$0x8200] =	vst v63  }
0x96: {  	_ =	swait.ge [sflag:s20], $0x2000  }
0x97: {  	[sflag:s20] =	ssyncset.done $0x0  }
0x98: {  	[sflag:s20] =	ssyncadd.s32 $0xFFFFE000  }
0x99: {  	[hbm4b:s9+s5] =	stream.linear.scatter [tilespmem:s19], [sflag:$0x2], $0x2000, $0x38;
	[tilespmem:$0x8200] =	vst v63  }
0x9a: {  	_ =	swait.ge [sflag:s22], $0x1000  }
0x9b: {  	[sflag:s22] =	ssyncset.done $0x0  }
0x9c: {  	s23 =	sadd.s32 $0x1, s23;
	[sflag:s22] =	ssyncadd.s32 $0xFFFFF000  }
0x9d: {  	p0 =	sne.s32 s23, s10;
	_ =	swait.ge [sflag:s22], $0x1000  }
.Ltmp2:
0x9e: {  	[sflag:s22] =	ssyncset.done $0x0;
	(pc) =	sbr.rel @p0 .LBB2_1-.Ltmp2, $4  }
0x9f: {  	[sflag:s22] =	ssyncadd.s32 $0xFFFFF000  }
0xa0: {  	_ =	swait.ge [sflag:s22], $0x2000  }
0xa1: {  	[sflag:s22] =	ssyncset.done $0x0  }
0xa2: {  	[sflag:s22] =	ssyncadd.s32 $0xFFFFE000  }
0xa3: {  	_ =	sfence.sel $0x180000  }
0xa4: {  	[bflag:$0x0] =	sbarrier.arrive $0xFFFF  }
0xa5: {  	p0 =	sne.s32 s4, $0x0;
	_ =	strace $0x90000047  }
0xa6: {  	s0 =	sadd.s32 @!p0 $0x100000, s0;
	[bflag:$0x2] =	sbarrier.arrive $0xFFFF  }
0xa7: {  	[sflag:s0] =	ssyncadd.tile.s32 @!p0 $0x1;
	_ =	shalt  }
.Lfunc_end2:
_tile_overlayer_lowered:
.L_overlay_start_2:
0xa8: {  	(tag) =	ssettag $0x2  }
0xa9: {  	s0 =	rddreg [dreg:$0x0];
	s2 =	stileid.u32  }
0xaa: {  	s1 =	rddreg [dreg:$0x1];
	p0 =	sne.s32 s2, $0x0  }
0xab: {  	s3 =	rddreg [dreg:$0x2];
	[bflag:$0x3] =	sbarrier.arrive $0xFFFF;
	s2 =	simm.s32 @!p0 $0x1C03  }
0xac: {  	[timem:s3], [sflag:s2] =	dma.local @!p0 [hbm:s0], s1  }
0xad: {  	s0 =	simm.s32 @!p0 $0x3  }
0xae: {  	_ =	swait.ge @!p0 [sflag:s0], s1  }
0xaf: {  	s1 =	ssub.s32 @!p0 $0x0, s1;
	[sflag:s0] =	ssyncset.done @!p0 $0x0  }
0xb0: {  	[sflag:s0] =	ssyncadd.s32 @!p0 s1  }
0xb1: {  	[bflag:$0x3] =	sbarrier.arrive $0xFFFF  }
0xb2: {  	_ =	shalt  }

</sc_bundles>
